<compile_context>
chip_gen: v7x
topology: tpu7x:2x2x1
jax: 0.10.2.dev20260603
libtpu: 0.0.44.dev20260713+nightly
codegen_flags: <defaults>
</compile_context>

<pallas_src>
import functools

import jax
import jax.numpy as jnp
from jax import lax
from jax.experimental import pallas as pl
from jax.experimental.pallas import tpu as pltpu
from jax.experimental.pallas import tpu_sc as plsc

_START_WARM = 20000
_END_WARM = 70000
_TOP_P = 0.15
_IT_STATIC = 50000

_NCLS = 19
_H = 1024
_W = 1024
_N = _H * _W
_ROWS = 8

_THIS_P_STATIC = _TOP_P + (1.0 - _TOP_P) * (
    (_END_WARM - _IT_STATIC) / (_END_WARM - _START_WARM))
_K = int(_N * _THIS_P_STATIC)

_NW = 32
_CHUNK = _N // _NW
_NBINS = 4096


def _phase1_body(x_ref, t_ref, p_ref, nllt_ref, nllp_ref, stats_ref):
    x = [x_ref[0, c] for c in range(_NCLS)]
    pre = [p_ref[0, c] for c in range(_NCLS)]
    t = t_ref[0]

    xm = x[0]
    for c in range(1, _NCLS):
        xm = jnp.maximum(xm, x[c])
    s = jnp.exp(x[0] - xm)
    for c in range(1, _NCLS):
        s = s + jnp.exp(x[c] - xm)
    lse = jnp.log(s) + xm

    pm_val = pre[0]
    pm = jnp.zeros_like(t)
    for c in range(1, _NCLS):
        upd = pre[c] > pm_val
        pm_val = jnp.where(upd, pre[c], pm_val)
        pm = jnp.where(upd, jnp.int32(c), pm)

    lt = jnp.where(t == 0, x[0], 0.0)
    lp = jnp.where(pm == 0, x[0], 0.0)
    for c in range(1, _NCLS):
        lt = lt + jnp.where(t == c, x[c], 0.0)
        lp = lp + jnp.where(pm == c, x[c], 0.0)

    nllt_ref[...] = lse - lt
    nllp_ref[...] = lse - lp

    inter = jnp.sum(jnp.logical_and(t != 0, pm != 0).astype(jnp.int32))
    st = jnp.sum(t)
    sp = jnp.sum(pm)

    @pl.when(pl.program_id(0) == 0)
    def _():
        stats_ref[0] = 0
        stats_ref[1] = 0
        stats_ref[2] = 0

    stats_ref[0] += inter
    stats_ref[1] += st
    stats_ref[2] += sp


def _phase1(x, t, p):
    grid = _H // _ROWS
    return pl.pallas_call(
        _phase1_body,
        grid=(grid,),
        in_specs=[
            pl.BlockSpec((1, _NCLS, _ROWS, _W), lambda i: (0, 0, i, 0)),
            pl.BlockSpec((1, _ROWS, _W), lambda i: (0, i, 0)),
            pl.BlockSpec((1, _NCLS, _ROWS, _W), lambda i: (0, 0, i, 0)),
        ],
        out_specs=[
            pl.BlockSpec((_ROWS, _W), lambda i: (i, 0)),
            pl.BlockSpec((_ROWS, _W), lambda i: (i, 0)),
            pl.BlockSpec(memory_space=pltpu.SMEM),
        ],
        out_shape=[
            jax.ShapeDtypeStruct((_H, _W), jnp.float32),
            jax.ShapeDtypeStruct((_H, _W), jnp.float32),
            jax.ShapeDtypeStruct((4,), jnp.int32),
        ],
        compiler_params=pltpu.CompilerParams(
            dimension_semantics=("arbitrary",)),
    )(x, t, p)


def _combine_body(ds_ref, t_ref, p_ref, key_ref):
    ds = ds_ref[0]
    raw = ds * t_ref[...] + (1.0 - ds) * p_ref[...]
    bits = lax.bitcast_convert_type(raw, jnp.int32)
    key_ref[...] = bits ^ (lax.shift_right_arithmetic(bits, 31) & jnp.int32(0x7FFFFFFF))


def _combine(nll_t, nll_p, ds):
    rows = 128
    return pl.pallas_call(
        _combine_body,
        grid=(_H // rows,),
        in_specs=[
            pl.BlockSpec(memory_space=pltpu.SMEM),
            pl.BlockSpec((rows, _W), lambda i: (i, 0)),
            pl.BlockSpec((rows, _W), lambda i: (i, 0)),
        ],
        out_specs=pl.BlockSpec((rows, _W), lambda i: (i, 0)),
        out_shape=jax.ShapeDtypeStruct((_H, _W), jnp.int32),
    )(ds.reshape(1), nll_t, nll_p)


def _make_hist_kernel(masked):
    mesh = plsc.VectorSubcoreMesh(
        core_axis_name="c", subcore_axis_name="s", num_cores=2,
        num_subcores=16)

    @functools.partial(
        pl.kernel,
        mesh=mesh,
        out_type=[
            jax.ShapeDtypeStruct((_NW, _NBINS), jnp.int32),
            jax.ShapeDtypeStruct((_NW, _NBINS), jnp.float32),
        ],
        scratch_types=[
            pltpu.VMEM((_CHUNK,), jnp.int32),
            pltpu.VMEM((16,), jnp.int32),
            pltpu.VMEM((_NBINS,), jnp.int32),
            pltpu.VMEM((_NBINS,), jnp.float32),
        ],
        compiler_params=pltpu.CompilerParams(needs_layout_passes=False),
    )
    def hist_kernel(keys_hbm, sel_hbm, hcnt_hbm, hsum_hbm,
                    kbuf, selbuf, hcnt, hsum):
        wid = lax.axis_index("s") * 2 + lax.axis_index("c")
        pltpu.sync_copy(keys_hbm.at[wid], kbuf)
        pltpu.sync_copy(sel_hbm, selbuf)
        sel = selbuf[...]

        zeros_i = jnp.zeros((16,), jnp.int32)
        zeros_f = jnp.zeros((16,), jnp.float32)

        def zero_step(i, c):
            hcnt[pl.ds(i * 16, 16)] = zeros_i
            hsum[pl.ds(i * 16, 16)] = zeros_f
            return c

        lax.fori_loop(0, _NBINS // 16, zero_step, 0)

        ones_i = jnp.ones((16,), jnp.int32)

        def step(i, c):
            kv = kbuf[pl.ds(i * 16, 16)]
            vbits = kv ^ (lax.shift_right_arithmetic(kv, 31)
                          & jnp.int32(0x7FFFFFFF))
            v = plsc.bitcast(vbits, jnp.float32)
            if masked:
                bin_ = lax.shift_right_arithmetic(kv, 8) & jnp.int32(0xFFF)
                mk = lax.shift_right_arithmetic(kv, 20) == sel
                plsc.addupdate_scatter(hcnt, [bin_], ones_i, mask=mk)
                plsc.addupdate_scatter(hsum, [bin_], v, mask=mk)
            else:
                bin_ = lax.shift_right_arithmetic(kv, 20) + jnp.int32(2048)
                plsc.addupdate_scatter(hcnt, [bin_], ones_i)
                plsc.addupdate_scatter(hsum, [bin_], v)
            return c

        lax.fori_loop(0, _CHUNK // 16, step, 0)

        pltpu.sync_copy(hcnt, hcnt_hbm.at[wid])
        pltpu.sync_copy(hsum, hsum_hbm.at[wid])

    return hist_kernel


_hist_round1 = _make_hist_kernel(masked=False)
_hist_round2 = _make_hist_kernel(masked=True)


def _merge(hcnt, hsum, kneed):
    hc = jnp.sum(hcnt, axis=0)
    hs = jnp.sum(hsum, axis=0)
    hc_r = hc[::-1]
    hs_r = hs[::-1]
    cum_c = jnp.cumsum(hc_r)
    cum_s = jnp.cumsum(hs_r)
    idx = jnp.argmax(cum_c >= kneed)
    b = jnp.int32(_NBINS - 1) - idx.astype(jnp.int32)
    cnt_above = cum_c[idx] - hc_r[idx]
    sum_above = cum_s[idx] - hs_r[idx]
    return b, cnt_above, sum_above


def kernel(input, target, pre_input, it):
    nll_t, nll_p, stats = _phase1(input, target, pre_input)

    inter = stats[0].astype(jnp.float32)
    union = (stats[1] + stats[2]).astype(jnp.float32)
    ds = jnp.where(union > 0, 2.0 * inter / union, jnp.float32(1.0))

    keys = _combine(nll_t, nll_p, ds).reshape(_NW, _CHUNK)

    sel0 = jnp.zeros((16,), jnp.int32)
    hc1, hs1 = _hist_round1(keys, sel0)
    b1, cnt1, sum1 = _merge(hc1, hs1, _K)
    sel1 = b1 - jnp.int32(2048)

    hc2, hs2 = _hist_round2(keys, jnp.full((16,), 1, jnp.int32) * sel1)
    k_rem = jnp.int32(_K) - cnt1
    b2, cnt2, sum2 = _merge(hc2, hs2, k_rem)

    tpref = (lax.shift_left(sel1, 12) | b2)
    kmid = lax.shift_left(tpref, 8) + jnp.int32(128)
    vbits = kmid ^ (lax.shift_right_arithmetic(kmid, 31) & jnp.int32(0x7FFFFFFF))
    v_est = lax.bitcast_convert_type(vbits, jnp.float32)

    n_strad = (k_rem - cnt2).astype(jnp.float32)
    topk_sum = sum1 + sum2 + n_strad * v_est
    mean = topk_sum / jnp.float32(_K)

    this_p = _TOP_P + (1.0 - _TOP_P) * ((_END_WARM - it) / (_END_WARM - _START_WARM))
    return (mean, this_p)

# --- scband reference (transcript-rebuilt; emitter-appended) ---
"""Pipeline reference for scband-dice-ce-17884243820687 (READ-ONLY COPY).

The authoritative reference and input builder live on the scoring server;
editing this copy changes nothing except your own understanding.
"""

import jax, jax.numpy as jnp
import numpy as np

START_WARM = 20000
END_WARM = 70000
TOP_P = 0.15


def _cross_entropy_none(logits, labels):
    # logits: [N, C, H, W], labels: [N, H, W] -> per-pixel NLL [N, H, W]
    logp = jax.nn.log_softmax(logits, axis=1)
    nll = -jnp.take_along_axis(logp, labels[:, None, :, :], axis=1)
    return nll.squeeze(1)


def setup_inputs(seed: int = 0) -> dict:
    key = jax.random.key(seed)
    k1, k2, k3 = jax.random.split(key, 3)
    inp = {}
    inp["input"] = jax.random.normal(k1, (1, 19, 1024, 1024), dtype=jnp.float32)
    inp["target"] = jax.random.randint(k2, (1, 1024, 1024), 0, 19, dtype=jnp.int32)
    inp["pre_input"] = jax.random.normal(k3, (1, 19, 1024, 1024), dtype=jnp.float32)
    inp["it"] = 50000
    return inp


def reference(input, target, pre_input, it):
    # pre_target = argmax over class dim of softmax(pre_input); keepdim then squeeze(dim=0)
    pre_soft = jax.nn.softmax(pre_input, axis=1)
    pre_target = jnp.argmax(pre_soft, axis=1).astype(target.dtype)  # [1, H, W] (B=1 so squeeze(0) of [1,1,H,W] -> [1,H,W])
    # dice score (torch.logical_and on int tensors: nonzero -> True; union sums raw label values)
    intersection = jnp.logical_and(target != 0, pre_target != 0).sum().astype(jnp.float32)
    union = (target.sum() + pre_target.sum()).astype(jnp.float32)
    ds = jnp.where(union > 0, 2.0 * intersection / union, jnp.float32(1.0))
    ds = jax.lax.stop_gradient(ds)  # torch uses .item() -> constant
    it_static = 50000
    if it_static < START_WARM:
        loss = ds * _cross_entropy_none(input, target).mean() + (1.0 - ds) * _cross_entropy_none(input, pre_target).mean()
        return (loss + 0.0 * it, 1.0)
    raw_loss = ds * _cross_entropy_none(input, target).reshape(-1) + (1.0 - ds) * _cross_entropy_none(input, pre_target).reshape(-1)
    num_pixels = raw_loss.shape[0]
    if it_static > END_WARM:
        this_p = TOP_P + 0.0 * it
        this_p_static = TOP_P
    else:
        this_p = TOP_P + (1.0 - TOP_P) * ((END_WARM - it) / (END_WARM - START_WARM))
        this_p_static = TOP_P + (1.0 - TOP_P) * ((END_WARM - it_static) / (END_WARM - START_WARM))
    k = int(num_pixels * this_p_static)
    vals, _ = jax.lax.top_k(raw_loss, k)
    return (vals.mean(), this_p)

if __name__ == "__main__":
    import jax
    _d = setup_inputs()
    print(jax.jit(kernel)(*tuple(_d.values())))

</pallas_src>

<mosaic_0001>
#map = affine_map<(d0, d1) -> (0, 0)>
#map1 = affine_map<(d0, d1) -> (0)>
module attributes {stable_mosaic.version = 14 : i64} {
  func.func @hist_kernel(%arg0: i32, %arg1: i32, %arg2: memref<32x32768xi32, #tpu.memory_space<hbm>>, %arg3: memref<16xi32, #tpu.memory_space<hbm>>, %arg4: memref<32x4096xi32, #tpu.memory_space<hbm>>, %arg5: memref<32x4096xf32, #tpu.memory_space<hbm>>, %arg6: memref<32768xi32, #tpu.memory_space<vmem>>, %arg7: memref<16xi32, #tpu.memory_space<vmem>>, %arg8: memref<4096xi32, #tpu.memory_space<vmem>>, %arg9: memref<4096xf32, #tpu.memory_space<vmem>>) attributes {dimension_semantics = [#tpu.dimension_semantics<core_parallel>, #tpu.dimension_semantics<subcore_parallel>], iteration_bounds = array<i64: 2, 16>, scalar_prefetch = 0 : i64, scratch_operands = 4 : i64, tpu.core_type = #tpu.core_type<sc_vector_subcore>, window_params = [{transform_indices = #map}, {transform_indices = #map1}, {transform_indices = #map}, {transform_indices = #map}]} {
    %mul3A = arith.constant 2 : i32
    %mul3A_0 = arith.muli %arg1, %mul3A : i32
    %add3A = arith.addi %mul3A_0, %arg0 : i32
    "tpu.region"() ({
      %run_scoped3A = tpu.sem_alloc : memref<!tpu.dma_semaphore, #tpu.memory_space<semaphore_mem>>
      %dma_start3A = arith.constant 0 : i32
      %dma_start3A_18 = tpu.memref_slice %arg2[%add3A, %dma_start3A] : memref<32x32768xi32, #tpu.memory_space<hbm>> -> memref<1x32768xi32, #tpu.memory_space<hbm>>
      %dma_start3A_19 = tpu.memref_squeeze %dma_start3A_18 : memref<1x32768xi32, #tpu.memory_space<hbm>> -> memref<32768xi32, #tpu.memory_space<hbm>>
      %dma_start3A_20 = arith.constant 0 : i32
      %dma_start3A_21 = tpu.memref_slice %arg2[%add3A, %dma_start3A_20] : memref<32x32768xi32, #tpu.memory_space<hbm>> -> memref<1x32768xi32, #tpu.memory_space<hbm>>
      %dma_start3A_22 = tpu.memref_squeeze %dma_start3A_21 : memref<1x32768xi32, #tpu.memory_space<hbm>> -> memref<32768xi32, #tpu.memory_space<hbm>>
      tpu.enqueue_dma source(%dma_start3A_22 : memref<32768xi32, #tpu.memory_space<hbm>>) target(%arg6 : memref<32768xi32, #tpu.memory_space<vmem>>) target_semaphore(%run_scoped3A : memref<!tpu.dma_semaphore, #tpu.memory_space<semaphore_mem>>)
      %dma_wait3A = arith.constant 0 : i32
      %dma_wait3A_23 = tpu.memref_slice %arg2[%add3A, %dma_wait3A] : memref<32x32768xi32, #tpu.memory_space<hbm>> -> memref<1x32768xi32, #tpu.memory_space<hbm>>
      %dma_wait3A_24 = tpu.memref_squeeze %dma_wait3A_23 : memref<1x32768xi32, #tpu.memory_space<hbm>> -> memref<32768xi32, #tpu.memory_space<hbm>>
      %dma_wait3A_25 = arith.constant 0 : i32
      %dma_wait3A_26 = tpu.memref_slice %arg2[%add3A, %dma_wait3A_25] : memref<32x32768xi32, #tpu.memory_space<hbm>> -> memref<1x32768xi32, #tpu.memory_space<hbm>>
      %dma_wait3A_27 = tpu.memref_squeeze %dma_wait3A_26 : memref<1x32768xi32, #tpu.memory_space<hbm>> -> memref<32768xi32, #tpu.memory_space<hbm>>
      tpu.wait_dma2 semaphore(%run_scoped3A : memref<!tpu.dma_semaphore, #tpu.memory_space<semaphore_mem>>) src(%dma_wait3A_27 : memref<32768xi32, #tpu.memory_space<hbm>>) dst(%arg6 : memref<32768xi32, #tpu.memory_space<vmem>>)
      tpu.yield
    }) : () -> ()
    "tpu.region"() ({
      %run_scoped3A = tpu.sem_alloc : memref<!tpu.dma_semaphore, #tpu.memory_space<semaphore_mem>>
      tpu.enqueue_dma source(%arg3 : memref<16xi32, #tpu.memory_space<hbm>>) target(%arg7 : memref<16xi32, #tpu.memory_space<vmem>>) target_semaphore(%run_scoped3A : memref<!tpu.dma_semaphore, #tpu.memory_space<semaphore_mem>>)
      tpu.wait_dma2 semaphore(%run_scoped3A : memref<!tpu.dma_semaphore, #tpu.memory_space<semaphore_mem>>) src(%arg3 : memref<16xi32, #tpu.memory_space<hbm>>) dst(%arg7 : memref<16xi32, #tpu.memory_space<vmem>>)
      tpu.yield
    }) : () -> ()
    %get3A = arith.constant 0 : index
    %get3A_1 = tpu.vector_load %arg7[%get3A] {strides = array<i32>} : memref<16xi32, #tpu.memory_space<vmem>>, vector<16xi32>,
    %broadcast_in_dim3A = arith.constant 0 : i32
    %broadcast_in_dim3A_2 = vector.broadcast %broadcast_in_dim3A : i32 to vector<16xi32>
    %broadcast_in_dim3A_3 = arith.constant 0.000000e+00 : f32
    %broadcast_in_dim3A_4 = vector.broadcast %broadcast_in_dim3A_3 : f32 to vector<16xf32>
    %scan3A = arith.constant 0 : i32
    %scan3A_5 = arith.constant 0 : i32
    %scan3A_6 = arith.constant 256 : i32
    %scan3A_7 = arith.addi %scan3A_5, %scan3A_6 : i32
    %scan3A_8 = arith.constant 1 : i32
    scf.for %scan3A_18 = %scan3A_5 to %scan3A_7 step %scan3A_8  : i32 {
      %mul3A_19 = arith.constant 16 : i32
      %mul3A_20 = arith.muli %scan3A_18, %mul3A_19 : i32
      %swap3A = arith.index_cast %mul3A_20 : i32 to index
      %swap3A_21 = tpu.vector_load %arg8[%swap3A] {strides = array<i32>} : memref<4096xi32, #tpu.memory_space<vmem>>, vector<16xi32>,
      tpu.vector_store %arg8[%swap3A], %broadcast_in_dim3A_2 {strides = array<i32>} : memref<4096xi32, #tpu.memory_space<vmem>>, vector<16xi32>,
      %mul3A_22 = arith.constant 16 : i32
      %mul3A_23 = arith.muli %scan3A_18, %mul3A_22 : i32
      %swap3A_24 = arith.index_cast %mul3A_23 : i32 to index
      %swap3A_25 = tpu.vector_load %arg9[%swap3A_24] {strides = array<i32>} : memref<4096xf32, #tpu.memory_space<vmem>>, vector<16xf32>,
      tpu.vector_store %arg9[%swap3A_24], %broadcast_in_dim3A_4 {strides = array<i32>} : memref<4096xf32, #tpu.memory_space<vmem>>, vector<16xf32>,
    }
    %scan3A_9 = arith.constant 256 : i32
    %broadcast_in_dim3A_10 = arith.constant 1 : i32
    %broadcast_in_dim3A_11 = vector.broadcast %broadcast_in_dim3A_10 : i32 to vector<16xi32>
    %scan3A_12 = arith.constant 0 : i32
    %scan3A_13 = arith.constant 0 : i32
    %scan3A_14 = arith.constant 2048 : i32
    %scan3A_15 = arith.addi %scan3A_13, %scan3A_14 : i32
    %scan3A_16 = arith.constant 1 : i32
    scf.for %scan3A_18 = %scan3A_13 to %scan3A_15 step %scan3A_16  : i32 {
      %mul3A_19 = arith.constant 16 : i32
      %mul3A_20 = arith.muli %scan3A_18, %mul3A_19 : i32
      %get3A_21 = arith.index_cast %mul3A_20 : i32 to index
      %get3A_22 = tpu.vector_load %arg6[%get3A_21] {strides = array<i32>} : memref<32768xi32, #tpu.memory_space<vmem>>, vector<16xi32>,
      %shift_right_arithmetic3A = arith.constant 31 : i32
      %shift_right_arithmetic3A_23 = vector.broadcast %shift_right_arithmetic3A : i32 to vector<16xi32>
      %shift_right_arithmetic3A_24 = arith.shrsi %get3A_22, %shift_right_arithmetic3A_23 : vector<16xi32>
      %and3A = arith.constant 2147483647 : i32
      %and3A_25 = vector.broadcast %and3A : i32 to vector<16xi32>
      %and3A_26 = arith.andi %shift_right_arithmetic3A_24, %and3A_25 : vector<16xi32>
      %xor3A = arith.xori %get3A_22, %and3A_26 : vector<16xi32>
      %bitcast3A = vector.bitcast %xor3A : vector<16xi32> to vector<16xf32>
      %shift_right_arithmetic3A_27 = arith.constant 8 : i32
      %shift_right_arithmetic3A_28 = vector.broadcast %shift_right_arithmetic3A_27 : i32 to vector<16xi32>
      %shift_right_arithmetic3A_29 = arith.shrsi %get3A_22, %shift_right_arithmetic3A_28 : vector<16xi32>
      %and3A_30 = arith.constant 4095 : i32
      %and3A_31 = vector.broadcast %and3A_30 : i32 to vector<16xi32>
      %and3A_32 = arith.andi %shift_right_arithmetic3A_29, %and3A_31 : vector<16xi32>
      %shift_right_arithmetic3A_33 = arith.constant 20 : i32
      %shift_right_arithmetic3A_34 = vector.broadcast %shift_right_arithmetic3A_33 : i32 to vector<16xi32>
      %shift_right_arithmetic3A_35 = arith.shrsi %get3A_22, %shift_right_arithmetic3A_34 : vector<16xi32>
      %eq3A = arith.cmpi eq, %shift_right_arithmetic3A_35, %get3A_1 : vector<16xi32>
      tpu.vector_store_idx %arg8[%and3A_32], %broadcast_in_dim3A_11 masked %eq3A {add = true} : memref<4096xi32, #tpu.memory_space<vmem>>[vector<16xi32>], vector<16xi32>, vector<16xi1>
      tpu.vector_store_idx %arg9[%and3A_32], %bitcast3A masked %eq3A {add = true} : memref<4096xf32, #tpu.memory_space<vmem>>[vector<16xi32>], vector<16xf32>, vector<16xi1>
    }
    %scan3A_17 = arith.constant 2048 : i32
    "tpu.region"() ({
      %run_scoped3A = tpu.sem_alloc : memref<!tpu.dma_semaphore, #tpu.memory_space<semaphore_mem>>
      %dma_start3A = arith.constant 0 : i32
      %dma_start3A_18 = tpu.memref_slice %arg4[%add3A, %dma_start3A] : memref<32x4096xi32, #tpu.memory_space<hbm>> -> memref<1x4096xi32, #tpu.memory_space<hbm>>
      %dma_start3A_19 = tpu.memref_squeeze %dma_start3A_18 : memref<1x4096xi32, #tpu.memory_space<hbm>> -> memref<4096xi32, #tpu.memory_space<hbm>>
      %dma_start3A_20 = arith.constant 0 : i32
      %dma_start3A_21 = tpu.memref_slice %arg4[%add3A, %dma_start3A_20] : memref<32x4096xi32, #tpu.memory_space<hbm>> -> memref<1x4096xi32, #tpu.memory_space<hbm>>
      %dma_start3A_22 = tpu.memref_squeeze %dma_start3A_21 : memref<1x4096xi32, #tpu.memory_space<hbm>> -> memref<4096xi32, #tpu.memory_space<hbm>>
      tpu.enqueue_dma source(%arg8 : memref<4096xi32, #tpu.memory_space<vmem>>) target(%dma_start3A_22 : memref<4096xi32, #tpu.memory_space<hbm>>) target_semaphore(%run_scoped3A : memref<!tpu.dma_semaphore, #tpu.memory_space<semaphore_mem>>)
      %dma_wait3A = arith.constant 0 : i32
      %dma_wait3A_23 = tpu.memref_slice %arg4[%add3A, %dma_wait3A] : memref<32x4096xi32, #tpu.memory_space<hbm>> -> memref<1x4096xi32, #tpu.memory_space<hbm>>
      %dma_wait3A_24 = tpu.memref_squeeze %dma_wait3A_23 : memref<1x4096xi32, #tpu.memory_space<hbm>> -> memref<4096xi32, #tpu.memory_space<hbm>>
      %dma_wait3A_25 = arith.constant 0 : i32
      %dma_wait3A_26 = tpu.memref_slice %arg4[%add3A, %dma_wait3A_25] : memref<32x4096xi32, #tpu.memory_space<hbm>> -> memref<1x4096xi32, #tpu.memory_space<hbm>>
      %dma_wait3A_27 = tpu.memref_squeeze %dma_wait3A_26 : memref<1x4096xi32, #tpu.memory_space<hbm>> -> memref<4096xi32, #tpu.memory_space<hbm>>
      tpu.wait_dma2 semaphore(%run_scoped3A : memref<!tpu.dma_semaphore, #tpu.memory_space<semaphore_mem>>) src(%arg8 : memref<4096xi32, #tpu.memory_space<vmem>>) dst(%dma_wait3A_27 : memref<4096xi32, #tpu.memory_space<hbm>>)
      tpu.yield
    }) : () -> ()
    "tpu.region"() ({
      %run_scoped3A = tpu.sem_alloc : memref<!tpu.dma_semaphore, #tpu.memory_space<semaphore_mem>>
      %dma_start3A = arith.constant 0 : i32
      %dma_start3A_18 = tpu.memref_slice %arg5[%add3A, %dma_start3A] : memref<32x4096xf32, #tpu.memory_space<hbm>> -> memref<1x4096xf32, #tpu.memory_space<hbm>>
      %dma_start3A_19 = tpu.memref_squeeze %dma_start3A_18 : memref<1x4096xf32, #tpu.memory_space<hbm>> -> memref<4096xf32, #tpu.memory_space<hbm>>
      %dma_start3A_20 = arith.constant 0 : i32
      %dma_start3A_21 = tpu.memref_slice %arg5[%add3A, %dma_start3A_20] : memref<32x4096xf32, #tpu.memory_space<hbm>> -> memref<1x4096xf32, #tpu.memory_space<hbm>>
      %dma_start3A_22 = tpu.memref_squeeze %dma_start3A_21 : memref<1x4096xf32, #tpu.memory_space<hbm>> -> memref<4096xf32, #tpu.memory_space<hbm>>
      tpu.enqueue_dma source(%arg9 : memref<4096xf32, #tpu.memory_space<vmem>>) target(%dma_start3A_22 : memref<4096xf32, #tpu.memory_space<hbm>>) target_semaphore(%run_scoped3A : memref<!tpu.dma_semaphore, #tpu.memory_space<semaphore_mem>>)
      %dma_wait3A = arith.constant 0 : i32
      %dma_wait3A_23 = tpu.memref_slice %arg5[%add3A, %dma_wait3A] : memref<32x4096xf32, #tpu.memory_space<hbm>> -> memref<1x4096xf32, #tpu.memory_space<hbm>>
      %dma_wait3A_24 = tpu.memref_squeeze %dma_wait3A_23 : memref<1x4096xf32, #tpu.memory_space<hbm>> -> memref<4096xf32, #tpu.memory_space<hbm>>
      %dma_wait3A_25 = arith.constant 0 : i32
      %dma_wait3A_26 = tpu.memref_slice %arg5[%add3A, %dma_wait3A_25] : memref<32x4096xf32, #tpu.memory_space<hbm>> -> memref<1x4096xf32, #tpu.memory_space<hbm>>
      %dma_wait3A_27 = tpu.memref_squeeze %dma_wait3A_26 : memref<1x4096xf32, #tpu.memory_space<hbm>> -> memref<4096xf32, #tpu.memory_space<hbm>>
      tpu.wait_dma2 semaphore(%run_scoped3A : memref<!tpu.dma_semaphore, #tpu.memory_space<semaphore_mem>>) src(%arg9 : memref<4096xf32, #tpu.memory_space<vmem>>) dst(%dma_wait3A_27 : memref<4096xf32, #tpu.memory_space<hbm>>)
      tpu.yield
    }) : () -> ()
    return
  }
}

#map = affine_map<(d0, d1) -> (0, 0)>
#map1 = affine_map<(d0, d1) -> (0)>
module attributes {stable_mosaic.version = 14 : i64} {
  func.func @hist_kernel(%arg0: i32, %arg1: i32, %arg2: memref<32x32768xi32, #tpu.memory_space<hbm>>, %arg3: memref<16xi32, #tpu.memory_space<hbm>>, %arg4: memref<32x4096xi32, #tpu.memory_space<hbm>>, %arg5: memref<32x4096xf32, #tpu.memory_space<hbm>>, %arg6: memref<32768xi32, #tpu.memory_space<vmem>>, %arg7: memref<16xi32, #tpu.memory_space<vmem>>, %arg8: memref<4096xi32, #tpu.memory_space<vmem>>, %arg9: memref<4096xf32, #tpu.memory_space<vmem>>) attributes {dimension_semantics = [#tpu.dimension_semantics<core_parallel>, #tpu.dimension_semantics<subcore_parallel>], iteration_bounds = array<i64: 2, 16>, scalar_prefetch = 0 : i64, scratch_operands = 4 : i64, tpu.core_type = #tpu.core_type<sc_vector_subcore>, window_params = [{transform_indices = #map}, {transform_indices = #map1}, {transform_indices = #map}, {transform_indices = #map}]} {
    %mul3A = arith.constant 2 : i32
    %mul3A_0 = arith.muli %arg1, %mul3A : i32
    %add3A = arith.addi %mul3A_0, %arg0 : i32
    "tpu.region"() ({
      %run_scoped3A = tpu.sem_alloc : memref<!tpu.dma_semaphore, #tpu.memory_space<semaphore_mem>>
      %dma_start3A = arith.constant 0 : i32
      %dma_start3A_18 = tpu.memref_slice %arg2[%add3A, %dma_start3A] : memref<32x32768xi32, #tpu.memory_space<hbm>> -> memref<1x32768xi32, #tpu.memory_space<hbm>>
      %dma_start3A_19 = tpu.memref_squeeze %dma_start3A_18 : memref<1x32768xi32, #tpu.memory_space<hbm>> -> memref<32768xi32, #tpu.memory_space<hbm>>
      %dma_start3A_20 = arith.constant 0 : i32
      %dma_start3A_21 = tpu.memref_slice %arg2[%add3A, %dma_start3A_20] : memref<32x32768xi32, #tpu.memory_space<hbm>> -> memref<1x32768xi32, #tpu.memory_space<hbm>>
      %dma_start3A_22 = tpu.memref_squeeze %dma_start3A_21 : memref<1x32768xi32, #tpu.memory_space<hbm>> -> memref<32768xi32, #tpu.memory_space<hbm>>
      tpu.enqueue_dma source(%dma_start3A_22 : memref<32768xi32, #tpu.memory_space<hbm>>) target(%arg6 : memref<32768xi32, #tpu.memory_space<vmem>>) target_semaphore(%run_scoped3A : memref<!tpu.dma_semaphore, #tpu.memory_space<semaphore_mem>>)
      %dma_wait3A = arith.constant 0 : i32
      %dma_wait3A_23 = tpu.memref_slice %arg2[%add3A, %dma_wait3A] : memref<32x32768xi32, #tpu.memory_space<hbm>> -> memref<1x32768xi32, #tpu.memory_space<hbm>>
      %dma_wait3A_24 = tpu.memref_squeeze %dma_wait3A_23 : memref<1x32768xi32, #tpu.memory_space<hbm>> -> memref<32768xi32, #tpu.memory_space<hbm>>
      %dma_wait3A_25 = arith.constant 0 : i32
      %dma_wait3A_26 = tpu.memref_slice %arg2[%add3A, %dma_wait3A_25] : memref<32x32768xi32, #tpu.memory_space<hbm>> -> memref<1x32768xi32, #tpu.memory_space<hbm>>
      %dma_wait3A_27 = tpu.memref_squeeze %dma_wait3A_26 : memref<1x32768xi32, #tpu.memory_space<hbm>> -> memref<32768xi32, #tpu.memory_space<hbm>>
      tpu.wait_dma2 semaphore(%run_scoped3A : memref<!tpu.dma_semaphore, #tpu.memory_space<semaphore_mem>>) src(%dma_wait3A_27 : memref<32768xi32, #tpu.memory_space<hbm>>) dst(%arg6 : memref<32768xi32, #tpu.memory_space<vmem>>)
      tpu.yield
    }) : () -> ()
    "tpu.region"() ({
      %run_scoped3A = tpu.sem_alloc : memref<!tpu.dma_semaphore, #tpu.memory_space<semaphore_mem>>
      tpu.enqueue_dma source(%arg3 : memref<16xi32, #tpu.memory_space<hbm>>) target(%arg7 : memref<16xi32, #tpu.memory_space<vmem>>) target_semaphore(%run_scoped3A : memref<!tpu.dma_semaphore, #tpu.memory_space<semaphore_mem>>)
      tpu.wait_dma2 semaphore(%run_scoped3A : memref<!tpu.dma_semaphore, #tpu.memory_space<semaphore_mem>>) src(%arg3 : memref<16xi32, #tpu.memory_space<hbm>>) dst(%arg7 : memref<16xi32, #tpu.memory_space<vmem>>)
      tpu.yield
    }) : () -> ()
    %get3A = arith.constant 0 : index
    %get3A_1 = tpu.vector_load %arg7[%get3A] {strides = array<i32>} : memref<16xi32, #tpu.memory_space<vmem>>, vector<16xi32>,
    %broadcast_in_dim3A = arith.constant 0 : i32
    %broadcast_in_dim3A_2 = vector.broadcast %broadcast_in_dim3A : i32 to vector<16xi32>
    %broadcast_in_dim3A_3 = arith.constant 0.000000e+00 : f32
    %broadcast_in_dim3A_4 = vector.broadcast %broadcast_in_dim3A_3 : f32 to vector<16xf32>
    %scan3A = arith.constant 0 : i32
    %scan3A_5 = arith.constant 0 : i32
    %scan3A_6 = arith.constant 256 : i32
    %scan3A_7 = arith.addi %scan3A_5, %scan3A_6 : i32
    %scan3A_8 = arith.constant 1 : i32
    scf.for %scan3A_18 = %scan3A_5 to %scan3A_7 step %scan3A_8  : i32 {
      %mul3A_19 = arith.constant 16 : i32
      %mul3A_20 = arith.muli %scan3A_18, %mul3A_19 : i32
      %swap3A = arith.index_cast %mul3A_20 : i32 to index
      %swap3A_21 = tpu.vector_load %arg8[%swap3A] {strides = array<i32>} : memref<4096xi32, #tpu.memory_space<vmem>>, vector<16xi32>,
      tpu.vector_store %arg8[%swap3A], %broadcast_in_dim3A_2 {strides = array<i32>} : memref<4096xi32, #tpu.memory_space<vmem>>, vector<16xi32>,
      %mul3A_22 = arith.constant 16 : i32
      %mul3A_23 = arith.muli %scan3A_18, %mul3A_22 : i32
      %swap3A_24 = arith.index_cast %mul3A_23 : i32 to index
      %swap3A_25 = tpu.vector_load %arg9[%swap3A_24] {strides = array<i32>} : memref<4096xf32, #tpu.memory_space<vmem>>, vector<16xf32>,
      tpu.vector_store %arg9[%swap3A_24], %broadcast_in_dim3A_4 {strides = array<i32>} : memref<4096xf32, #tpu.memory_space<vmem>>, vector<16xf32>,
    }
    %scan3A_9 = arith.constant 256 : i32
    %broadcast_in_dim3A_10 = arith.constant 1 : i32
    %broadcast_in_dim3A_11 = vector.broadcast %broadcast_in_dim3A_10 : i32 to vector<16xi32>
    %scan3A_12 = arith.constant 0 : i32
    %scan3A_13 = arith.constant 0 : i32
    %scan3A_14 = arith.constant 2048 : i32
    %scan3A_15 = arith.addi %scan3A_13, %scan3A_14 : i32
    %scan3A_16 = arith.constant 1 : i32
    scf.for %scan3A_18 = %scan3A_13 to %scan3A_15 step %scan3A_16  : i32 {
      %mul3A_19 = arith.constant 16 : i32
      %mul3A_20 = arith.muli %scan3A_18, %mul3A_19 : i32
      %get3A_21 = arith.index_cast %mul3A_20 : i32 to index
      %get3A_22 = tpu.vector_load %arg6[%get3A_21] {strides = array<i32>} : memref<32768xi32, #tpu.memory_space<vmem>>, vector<16xi32>,
      %shift_right_arithmetic3A = arith.constant 31 : i32
      %shift_right_arithmetic3A_23 = vector.broadcast %shift_right_arithmetic3A : i32 to vector<16xi32>
      %shift_right_arithmetic3A_24 = arith.shrsi %get3A_22, %shift_right_arithmetic3A_23 : vector<16xi32>
      %and3A = arith.constant 2147483647 : i32
      %and3A_25 = vector.broadcast %and3A : i32 to vector<16xi32>
      %and3A_26 = arith.andi %shift_right_arithmetic3A_24, %and3A_25 : vector<16xi32>
      %xor3A = arith.xori %get3A_22, %and3A_26 : vector<16xi32>
      %bitcast3A = vector.bitcast %xor3A : vector<16xi32> to vector<16xf32>
      %shift_right_arithmetic3A_27 = arith.constant 20 : i32
      %shift_right_arithmetic3A_28 = vector.broadcast %shift_right_arithmetic3A_27 : i32 to vector<16xi32>
      %shift_right_arithmetic3A_29 = arith.shrsi %get3A_22, %shift_right_arithmetic3A_28 : vector<16xi32>
      %add3A_30 = arith.constant 2048 : i32
      %add3A_31 = vector.broadcast %add3A_30 : i32 to vector<16xi32>
      %add3A_32 = arith.addi %shift_right_arithmetic3A_29, %add3A_31 : vector<16xi32>
      tpu.vector_store_idx %arg8[%add3A_32], %broadcast_in_dim3A_11 {add = true} : memref<4096xi32, #tpu.memory_space<vmem>>[vector<16xi32>], vector<16xi32>,
      tpu.vector_store_idx %arg9[%add3A_32], %bitcast3A {add = true} : memref<4096xf32, #tpu.memory_space<vmem>>[vector<16xi32>], vector<16xf32>,
    }
    %scan3A_17 = arith.constant 2048 : i32
    "tpu.region"() ({
      %run_scoped3A = tpu.sem_alloc : memref<!tpu.dma_semaphore, #tpu.memory_space<semaphore_mem>>
      %dma_start3A = arith.constant 0 : i32
      %dma_start3A_18 = tpu.memref_slice %arg4[%add3A, %dma_start3A] : memref<32x4096xi32, #tpu.memory_space<hbm>> -> memref<1x4096xi32, #tpu.memory_space<hbm>>
      %dma_start3A_19 = tpu.memref_squeeze %dma_start3A_18 : memref<1x4096xi32, #tpu.memory_space<hbm>> -> memref<4096xi32, #tpu.memory_space<hbm>>
      %dma_start3A_20 = arith.constant 0 : i32
      %dma_start3A_21 = tpu.memref_slice %arg4[%add3A, %dma_start3A_20] : memref<32x4096xi32, #tpu.memory_space<hbm>> -> memref<1x4096xi32, #tpu.memory_space<hbm>>
      %dma_start3A_22 = tpu.memref_squeeze %dma_start3A_21 : memref<1x4096xi32, #tpu.memory_space<hbm>> -> memref<4096xi32, #tpu.memory_space<hbm>>
      tpu.enqueue_dma source(%arg8 : memref<4096xi32, #tpu.memory_space<vmem>>) target(%dma_start3A_22 : memref<4096xi32, #tpu.memory_space<hbm>>) target_semaphore(%run_scoped3A : memref<!tpu.dma_semaphore, #tpu.memory_space<semaphore_mem>>)
      %dma_wait3A = arith.constant 0 : i32
      %dma_wait3A_23 = tpu.memref_slice %arg4[%add3A, %dma_wait3A] : memref<32x4096xi32, #tpu.memory_space<hbm>> -> memref<1x4096xi32, #tpu.memory_space<hbm>>
      %dma_wait3A_24 = tpu.memref_squeeze %dma_wait3A_23 : memref<1x4096xi32, #tpu.memory_space<hbm>> -> memref<4096xi32, #tpu.memory_space<hbm>>
      %dma_wait3A_25 = arith.constant 0 : i32
      %dma_wait3A_26 = tpu.memref_slice %arg4[%add3A, %dma_wait3A_25] : memref<32x4096xi32, #tpu.memory_space<hbm>> -> memref<1x4096xi32, #tpu.memory_space<hbm>>
      %dma_wait3A_27 = tpu.memref_squeeze %dma_wait3A_26 : memref<1x4096xi32, #tpu.memory_space<hbm>> -> memref<4096xi32, #tpu.memory_space<hbm>>
      tpu.wait_dma2 semaphore(%run_scoped3A : memref<!tpu.dma_semaphore, #tpu.memory_space<semaphore_mem>>) src(%arg8 : memref<4096xi32, #tpu.memory_space<vmem>>) dst(%dma_wait3A_27 : memref<4096xi32, #tpu.memory_space<hbm>>)
      tpu.yield
    }) : () -> ()
    "tpu.region"() ({
      %run_scoped3A = tpu.sem_alloc : memref<!tpu.dma_semaphore, #tpu.memory_space<semaphore_mem>>
      %dma_start3A = arith.constant 0 : i32
      %dma_start3A_18 = tpu.memref_slice %arg5[%add3A, %dma_start3A] : memref<32x4096xf32, #tpu.memory_space<hbm>> -> memref<1x4096xf32, #tpu.memory_space<hbm>>
      %dma_start3A_19 = tpu.memref_squeeze %dma_start3A_18 : memref<1x4096xf32, #tpu.memory_space<hbm>> -> memref<4096xf32, #tpu.memory_space<hbm>>
      %dma_start3A_20 = arith.constant 0 : i32
      %dma_start3A_21 = tpu.memref_slice %arg5[%add3A, %dma_start3A_20] : memref<32x4096xf32, #tpu.memory_space<hbm>> -> memref<1x4096xf32, #tpu.memory_space<hbm>>
      %dma_start3A_22 = tpu.memref_squeeze %dma_start3A_21 : memref<1x4096xf32, #tpu.memory_space<hbm>> -> memref<4096xf32, #tpu.memory_space<hbm>>
      tpu.enqueue_dma source(%arg9 : memref<4096xf32, #tpu.memory_space<vmem>>) target(%dma_start3A_22 : memref<4096xf32, #tpu.memory_space<hbm>>) target_semaphore(%run_scoped3A : memref<!tpu.dma_semaphore, #tpu.memory_space<semaphore_mem>>)
      %dma_wait3A = arith.constant 0 : i32
      %dma_wait3A_23 = tpu.memref_slice %arg5[%add3A, %dma_wait3A] : memref<32x4096xf32, #tpu.memory_space<hbm>> -> memref<1x4096xf32, #tpu.memory_space<hbm>>
      %dma_wait3A_24 = tpu.memref_squeeze %dma_wait3A_23 : memref<1x4096xf32, #tpu.memory_space<hbm>> -> memref<4096xf32, #tpu.memory_space<hbm>>
      %dma_wait3A_25 = arith.constant 0 : i32
      %dma_wait3A_26 = tpu.memref_slice %arg5[%add3A, %dma_wait3A_25] : memref<32x4096xf32, #tpu.memory_space<hbm>> -> memref<1x4096xf32, #tpu.memory_space<hbm>>
      %dma_wait3A_27 = tpu.memref_squeeze %dma_wait3A_26 : memref<1x4096xf32, #tpu.memory_space<hbm>> -> memref<4096xf32, #tpu.memory_space<hbm>>
      tpu.wait_dma2 semaphore(%run_scoped3A : memref<!tpu.dma_semaphore, #tpu.memory_space<semaphore_mem>>) src(%arg9 : memref<4096xf32, #tpu.memory_space<vmem>>) dst(%dma_wait3A_27 : memref<4096xf32, #tpu.memory_space<hbm>>)
      tpu.yield
    }) : () -> ()
    return
  }
}

module attributes {stable_mosaic.version = 14 : i64} {
  func.func @_phase1_body(%arg0: i32, %arg1: memref<1x19x8x1024xf32, #tpu.memory_space<vmem>>, %arg2: memref<1x8x1024xi32, #tpu.memory_space<vmem>>, %arg3: memref<1x19x8x1024xf32, #tpu.memory_space<vmem>>, %arg4: memref<8x1024xf32, #tpu.memory_space<vmem>>, %arg5: memref<8x1024xf32, #tpu.memory_space<vmem>>, %arg6: memref<4xi32, #tpu.memory_space<smem>>) attributes {dimension_semantics = [#tpu.dimension_semantics<arbitrary>], iteration_bounds = array<i64: 128>, scalar_prefetch = 0 : i64, scratch_operands = 0 : i64, tpu.core_type = #tpu.core_type<tc>, window_params = [{transform_indices = @transform_0, window_bounds = array<i64: 1, 19, 8, 1024>}, {transform_indices = @transform_1, window_bounds = array<i64: 1, 8, 1024>}, {transform_indices = @transform_2, window_bounds = array<i64: 1, 19, 8, 1024>}, {transform_indices = @transform_3, window_bounds = array<i64: 8, 1024>}, {transform_indices = @transform_4, window_bounds = array<i64: 8, 1024>}, {transform_indices = @transform_5, window_bounds = array<i64: 4>}]} {
    %get3A = arith.constant 0 : index
    %get3A_0 = arith.constant 0 : index
    %get3A_1 = arith.constant 0 : index
    %get3A_2 = arith.constant 0 : index
    %get3A_3 = vector.load %arg1[%get3A, %get3A_0, %get3A_1, %get3A_2] : memref<1x19x8x1024xf32, #tpu.memory_space<vmem>>, vector<1x1x8x1024xf32>
    %get3A_4 = vector.shape_cast %get3A_3 : vector<1x1x8x1024xf32> to vector<8x1024xf32>
    %get3A_5 = arith.constant 0 : index
    %get3A_6 = arith.constant 1 : index
    %get3A_7 = arith.constant 0 : index
    %get3A_8 = arith.constant 0 : index
    %get3A_9 = vector.load %arg1[%get3A_5, %get3A_6, %get3A_7, %get3A_8] : memref<1x19x8x1024xf32, #tpu.memory_space<vmem>>, vector<1x1x8x1024xf32>
    %get3A_10 = vector.shape_cast %get3A_9 : vector<1x1x8x1024xf32> to vector<8x1024xf32>
    %get3A_11 = arith.constant 0 : index
    %get3A_12 = arith.constant 2 : index
    %get3A_13 = arith.constant 0 : index
    %get3A_14 = arith.constant 0 : index
    %get3A_15 = vector.load %arg1[%get3A_11, %get3A_12, %get3A_13, %get3A_14] : memref<1x19x8x1024xf32, #tpu.memory_space<vmem>>, vector<1x1x8x1024xf32>
    %get3A_16 = vector.shape_cast %get3A_15 : vector<1x1x8x1024xf32> to vector<8x1024xf32>
    %get3A_17 = arith.constant 0 : index
    %get3A_18 = arith.constant 3 : index
    %get3A_19 = arith.constant 0 : index
    %get3A_20 = arith.constant 0 : index
    %get3A_21 = vector.load %arg1[%get3A_17, %get3A_18, %get3A_19, %get3A_20] : memref<1x19x8x1024xf32, #tpu.memory_space<vmem>>, vector<1x1x8x1024xf32>
    %get3A_22 = vector.shape_cast %get3A_21 : vector<1x1x8x1024xf32> to vector<8x1024xf32>
    %get3A_23 = arith.constant 0 : index
    %get3A_24 = arith.constant 4 : index
    %get3A_25 = arith.constant 0 : index
    %get3A_26 = arith.constant 0 : index
    %get3A_27 = vector.load %arg1[%get3A_23, %get3A_24, %get3A_25, %get3A_26] : memref<1x19x8x1024xf32, #tpu.memory_space<vmem>>, vector<1x1x8x1024xf32>
    %get3A_28 = vector.shape_cast %get3A_27 : vector<1x1x8x1024xf32> to vector<8x1024xf32>
    %get3A_29 = arith.constant 0 : index
    %get3A_30 = arith.constant 5 : index
    %get3A_31 = arith.constant 0 : index
    %get3A_32 = arith.constant 0 : index
    %get3A_33 = vector.load %arg1[%get3A_29, %get3A_30, %get3A_31, %get3A_32] : memref<1x19x8x1024xf32, #tpu.memory_space<vmem>>, vector<1x1x8x1024xf32>
    %get3A_34 = vector.shape_cast %get3A_33 : vector<1x1x8x1024xf32> to vector<8x1024xf32>
    %get3A_35 = arith.constant 0 : index
    %get3A_36 = arith.constant 6 : index
    %get3A_37 = arith.constant 0 : index
    %get3A_38 = arith.constant 0 : index
    %get3A_39 = vector.load %arg1[%get3A_35, %get3A_36, %get3A_37, %get3A_38] : memref<1x19x8x1024xf32, #tpu.memory_space<vmem>>, vector<1x1x8x1024xf32>
    %get3A_40 = vector.shape_cast %get3A_39 : vector<1x1x8x1024xf32> to vector<8x1024xf32>
    %get3A_41 = arith.constant 0 : index
    %get3A_42 = arith.constant 7 : index
    %get3A_43 = arith.constant 0 : index
    %get3A_44 = arith.constant 0 : index
    %get3A_45 = vector.load %arg1[%get3A_41, %get3A_42, %get3A_43, %get3A_44] : memref<1x19x8x1024xf32, #tpu.memory_space<vmem>>, vector<1x1x8x1024xf32>
    %get3A_46 = vector.shape_cast %get3A_45 : vector<1x1x8x1024xf32> to vector<8x1024xf32>
    %get3A_47 = arith.constant 0 : index
    %get3A_48 = arith.constant 8 : index
    %get3A_49 = arith.constant 0 : index
    %get3A_50 = arith.constant 0 : index
    %get3A_51 = vector.load %arg1[%get3A_47, %get3A_48, %get3A_49, %get3A_50] : memref<1x19x8x1024xf32, #tpu.memory_space<vmem>>, vector<1x1x8x1024xf32>
    %get3A_52 = vector.shape_cast %get3A_51 : vector<1x1x8x1024xf32> to vector<8x1024xf32>
    %get3A_53 = arith.constant 0 : index
    %get3A_54 = arith.constant 9 : index
    %get3A_55 = arith.constant 0 : index
    %get3A_56 = arith.constant 0 : index
    %get3A_57 = vector.load %arg1[%get3A_53, %get3A_54, %get3A_55, %get3A_56] : memref<1x19x8x1024xf32, #tpu.memory_space<vmem>>, vector<1x1x8x1024xf32>
    %get3A_58 = vector.shape_cast %get3A_57 : vector<1x1x8x1024xf32> to vector<8x1024xf32>
    %get3A_59 = arith.constant 0 : index
    %get3A_60 = arith.constant 10 : index
    %get3A_61 = arith.constant 0 : index
    %get3A_62 = arith.constant 0 : index
    %get3A_63 = vector.load %arg1[%get3A_59, %get3A_60, %get3A_61, %get3A_62] : memref<1x19x8x1024xf32, #tpu.memory_space<vmem>>, vector<1x1x8x1024xf32>
    %get3A_64 = vector.shape_cast %get3A_63 : vector<1x1x8x1024xf32> to vector<8x1024xf32>
    %get3A_65 = arith.constant 0 : index
    %get3A_66 = arith.constant 11 : index
    %get3A_67 = arith.constant 0 : index
    %get3A_68 = arith.constant 0 : index
    %get3A_69 = vector.load %arg1[%get3A_65, %get3A_66, %get3A_67, %get3A_68] : memref<1x19x8x1024xf32, #tpu.memory_space<vmem>>, vector<1x1x8x1024xf32>
    %get3A_70 = vector.shape_cast %get3A_69 : vector<1x1x8x1024xf32> to vector<8x1024xf32>
    %get3A_71 = arith.constant 0 : index
    %get3A_72 = arith.constant 12 : index
    %get3A_73 = arith.constant 0 : index
    %get3A_74 = arith.constant 0 : index
    %get3A_75 = vector.load %arg1[%get3A_71, %get3A_72, %get3A_73, %get3A_74] : memref<1x19x8x1024xf32, #tpu.memory_space<vmem>>, vector<1x1x8x1024xf32>
    %get3A_76 = vector.shape_cast %get3A_75 : vector<1x1x8x1024xf32> to vector<8x1024xf32>
    %get3A_77 = arith.constant 0 : index
    %get3A_78 = arith.constant 13 : index
    %get3A_79 = arith.constant 0 : index
    %get3A_80 = arith.constant 0 : index
    %get3A_81 = vector.load %arg1[%get3A_77, %get3A_78, %get3A_79, %get3A_80] : memref<1x19x8x1024xf32, #tpu.memory_space<vmem>>, vector<1x1x8x1024xf32>
    %get3A_82 = vector.shape_cast %get3A_81 : vector<1x1x8x1024xf32> to vector<8x1024xf32>
    %get3A_83 = arith.constant 0 : index
    %get3A_84 = arith.constant 14 : index
    %get3A_85 = arith.constant 0 : index
    %get3A_86 = arith.constant 0 : index
    %get3A_87 = vector.load %arg1[%get3A_83, %get3A_84, %get3A_85, %get3A_86] : memref<1x19x8x1024xf32, #tpu.memory_space<vmem>>, vector<1x1x8x1024xf32>
    %get3A_88 = vector.shape_cast %get3A_87 : vector<1x1x8x1024xf32> to vector<8x1024xf32>
    %get3A_89 = arith.constant 0 : index
    %get3A_90 = arith.constant 15 : index
    %get3A_91 = arith.constant 0 : index
    %get3A_92 = arith.constant 0 : index
    %get3A_93 = vector.load %arg1[%get3A_89, %get3A_90, %get3A_91, %get3A_92] : memref<1x19x8x1024xf32, #tpu.memory_space<vmem>>, vector<1x1x8x1024xf32>
    %get3A_94 = vector.shape_cast %get3A_93 : vector<1x1x8x1024xf32> to vector<8x1024xf32>
    %get3A_95 = arith.constant 0 : index
    %get3A_96 = arith.constant 16 : index
    %get3A_97 = arith.constant 0 : index
    %get3A_98 = arith.constant 0 : index
    %get3A_99 = vector.load %arg1[%get3A_95, %get3A_96, %get3A_97, %get3A_98] : memref<1x19x8x1024xf32, #tpu.memory_space<vmem>>, vector<1x1x8x1024xf32>
    %get3A_100 = vector.shape_cast %get3A_99 : vector<1x1x8x1024xf32> to vector<8x1024xf32>
    %get3A_101 = arith.constant 0 : index
    %get3A_102 = arith.constant 17 : index
    %get3A_103 = arith.constant 0 : index
    %get3A_104 = arith.constant 0 : index
    %get3A_105 = vector.load %arg1[%get3A_101, %get3A_102, %get3A_103, %get3A_104] : memref<1x19x8x1024xf32, #tpu.memory_space<vmem>>, vector<1x1x8x1024xf32>
    %get3A_106 = vector.shape_cast %get3A_105 : vector<1x1x8x1024xf32> to vector<8x1024xf32>
    %get3A_107 = arith.constant 0 : index
    %get3A_108 = arith.constant 18 : index
    %get3A_109 = arith.constant 0 : index
    %get3A_110 = arith.constant 0 : index
    %get3A_111 = vector.load %arg1[%get3A_107, %get3A_108, %get3A_109, %get3A_110] : memref<1x19x8x1024xf32, #tpu.memory_space<vmem>>, vector<1x1x8x1024xf32>
    %get3A_112 = vector.shape_cast %get3A_111 : vector<1x1x8x1024xf32> to vector<8x1024xf32>
    %get3A_113 = arith.constant 0 : index
    %get3A_114 = arith.constant 0 : index
    %get3A_115 = arith.constant 0 : index
    %get3A_116 = arith.constant 0 : index
    %get3A_117 = vector.load %arg3[%get3A_113, %get3A_114, %get3A_115, %get3A_116] : memref<1x19x8x1024xf32, #tpu.memory_space<vmem>>, vector<1x1x8x1024xf32>
    %get3A_118 = vector.shape_cast %get3A_117 : vector<1x1x8x1024xf32> to vector<8x1024xf32>
    %get3A_119 = arith.constant 0 : index
    %get3A_120 = arith.constant 1 : index
    %get3A_121 = arith.constant 0 : index
    %get3A_122 = arith.constant 0 : index
    %get3A_123 = vector.load %arg3[%get3A_119, %get3A_120, %get3A_121, %get3A_122] : memref<1x19x8x1024xf32, #tpu.memory_space<vmem>>, vector<1x1x8x1024xf32>
    %get3A_124 = vector.shape_cast %get3A_123 : vector<1x1x8x1024xf32> to vector<8x1024xf32>
    %get3A_125 = arith.constant 0 : index
    %get3A_126 = arith.constant 2 : index
    %get3A_127 = arith.constant 0 : index
    %get3A_128 = arith.constant 0 : index
    %get3A_129 = vector.load %arg3[%get3A_125, %get3A_126, %get3A_127, %get3A_128] : memref<1x19x8x1024xf32, #tpu.memory_space<vmem>>, vector<1x1x8x1024xf32>
    %get3A_130 = vector.shape_cast %get3A_129 : vector<1x1x8x1024xf32> to vector<8x1024xf32>
    %get3A_131 = arith.constant 0 : index
    %get3A_132 = arith.constant 3 : index
    %get3A_133 = arith.constant 0 : index
    %get3A_134 = arith.constant 0 : index
    %get3A_135 = vector.load %arg3[%get3A_131, %get3A_132, %get3A_133, %get3A_134] : memref<1x19x8x1024xf32, #tpu.memory_space<vmem>>, vector<1x1x8x1024xf32>
    %get3A_136 = vector.shape_cast %get3A_135 : vector<1x1x8x1024xf32> to vector<8x1024xf32>
    %get3A_137 = arith.constant 0 : index
    %get3A_138 = arith.constant 4 : index
    %get3A_139 = arith.constant 0 : index
    %get3A_140 = arith.constant 0 : index
    %get3A_141 = vector.load %arg3[%get3A_137, %get3A_138, %get3A_139, %get3A_140] : memref<1x19x8x1024xf32, #tpu.memory_space<vmem>>, vector<1x1x8x1024xf32>
    %get3A_142 = vector.shape_cast %get3A_141 : vector<1x1x8x1024xf32> to vector<8x1024xf32>
    %get3A_143 = arith.constant 0 : index
    %get3A_144 = arith.constant 5 : index
    %get3A_145 = arith.constant 0 : index
    %get3A_146 = arith.constant 0 : index
    %get3A_147 = vector.load %arg3[%get3A_143, %get3A_144, %get3A_145, %get3A_146] : memref<1x19x8x1024xf32, #tpu.memory_space<vmem>>, vector<1x1x8x1024xf32>
    %get3A_148 = vector.shape_cast %get3A_147 : vector<1x1x8x1024xf32> to vector<8x1024xf32>
    %get3A_149 = arith.constant 0 : index
    %get3A_150 = arith.constant 6 : index
    %get3A_151 = arith.constant 0 : index
    %get3A_152 = arith.constant 0 : index
    %get3A_153 = vector.load %arg3[%get3A_149, %get3A_150, %get3A_151, %get3A_152] : memref<1x19x8x1024xf32, #tpu.memory_space<vmem>>, vector<1x1x8x1024xf32>
    %get3A_154 = vector.shape_cast %get3A_153 : vector<1x1x8x1024xf32> to vector<8x1024xf32>
    %get3A_155 = arith.constant 0 : index
    %get3A_156 = arith.constant 7 : index
    %get3A_157 = arith.constant 0 : index
    %get3A_158 = arith.constant 0 : index
    %get3A_159 = vector.load %arg3[%get3A_155, %get3A_156, %get3A_157, %get3A_158] : memref<1x19x8x1024xf32, #tpu.memory_space<vmem>>, vector<1x1x8x1024xf32>
    %get3A_160 = vector.shape_cast %get3A_159 : vector<1x1x8x1024xf32> to vector<8x1024xf32>
    %get3A_161 = arith.constant 0 : index
    %get3A_162 = arith.constant 8 : index
    %get3A_163 = arith.constant 0 : index
    %get3A_164 = arith.constant 0 : index
    %get3A_165 = vector.load %arg3[%get3A_161, %get3A_162, %get3A_163, %get3A_164] : memref<1x19x8x1024xf32, #tpu.memory_space<vmem>>, vector<1x1x8x1024xf32>
    %get3A_166 = vector.shape_cast %get3A_165 : vector<1x1x8x1024xf32> to vector<8x1024xf32>
    %get3A_167 = arith.constant 0 : index
    %get3A_168 = arith.constant 9 : index
    %get3A_169 = arith.constant 0 : index
    %get3A_170 = arith.constant 0 : index
    %get3A_171 = vector.load %arg3[%get3A_167, %get3A_168, %get3A_169, %get3A_170] : memref<1x19x8x1024xf32, #tpu.memory_space<vmem>>, vector<1x1x8x1024xf32>
    %get3A_172 = vector.shape_cast %get3A_171 : vector<1x1x8x1024xf32> to vector<8x1024xf32>
    %get3A_173 = arith.constant 0 : index
    %get3A_174 = arith.constant 10 : index
    %get3A_175 = arith.constant 0 : index
    %get3A_176 = arith.constant 0 : index
    %get3A_177 = vector.load %arg3[%get3A_173, %get3A_174, %get3A_175, %get3A_176] : memref<1x19x8x1024xf32, #tpu.memory_space<vmem>>, vector<1x1x8x1024xf32>
    %get3A_178 = vector.shape_cast %get3A_177 : vector<1x1x8x1024xf32> to vector<8x1024xf32>
    %get3A_179 = arith.constant 0 : index
    %get3A_180 = arith.constant 11 : index
    %get3A_181 = arith.constant 0 : index
    %get3A_182 = arith.constant 0 : index
    %get3A_183 = vector.load %arg3[%get3A_179, %get3A_180, %get3A_181, %get3A_182] : memref<1x19x8x1024xf32, #tpu.memory_space<vmem>>, vector<1x1x8x1024xf32>
    %get3A_184 = vector.shape_cast %get3A_183 : vector<1x1x8x1024xf32> to vector<8x1024xf32>
    %get3A_185 = arith.constant 0 : index
    %get3A_186 = arith.constant 12 : index
    %get3A_187 = arith.constant 0 : index
    %get3A_188 = arith.constant 0 : index
    %get3A_189 = vector.load %arg3[%get3A_185, %get3A_186, %get3A_187, %get3A_188] : memref<1x19x8x1024xf32, #tpu.memory_space<vmem>>, vector<1x1x8x1024xf32>
    %get3A_190 = vector.shape_cast %get3A_189 : vector<1x1x8x1024xf32> to vector<8x1024xf32>
    %get3A_191 = arith.constant 0 : index
    %get3A_192 = arith.constant 13 : index
    %get3A_193 = arith.constant 0 : index
    %get3A_194 = arith.constant 0 : index
    %get3A_195 = vector.load %arg3[%get3A_191, %get3A_192, %get3A_193, %get3A_194] : memref<1x19x8x1024xf32, #tpu.memory_space<vmem>>, vector<1x1x8x1024xf32>
    %get3A_196 = vector.shape_cast %get3A_195 : vector<1x1x8x1024xf32> to vector<8x1024xf32>
    %get3A_197 = arith.constant 0 : index
    %get3A_198 = arith.constant 14 : index
    %get3A_199 = arith.constant 0 : index
    %get3A_200 = arith.constant 0 : index
    %get3A_201 = vector.load %arg3[%get3A_197, %get3A_198, %get3A_199, %get3A_200] : memref<1x19x8x1024xf32, #tpu.memory_space<vmem>>, vector<1x1x8x1024xf32>
    %get3A_202 = vector.shape_cast %get3A_201 : vector<1x1x8x1024xf32> to vector<8x1024xf32>
    %get3A_203 = arith.constant 0 : index
    %get3A_204 = arith.constant 15 : index
    %get3A_205 = arith.constant 0 : index
    %get3A_206 = arith.constant 0 : index
    %get3A_207 = vector.load %arg3[%get3A_203, %get3A_204, %get3A_205, %get3A_206] : memref<1x19x8x1024xf32, #tpu.memory_space<vmem>>, vector<1x1x8x1024xf32>
    %get3A_208 = vector.shape_cast %get3A_207 : vector<1x1x8x1024xf32> to vector<8x1024xf32>
    %get3A_209 = arith.constant 0 : index
    %get3A_210 = arith.constant 16 : index
    %get3A_211 = arith.constant 0 : index
    %get3A_212 = arith.constant 0 : index
    %get3A_213 = vector.load %arg3[%get3A_209, %get3A_210, %get3A_211, %get3A_212] : memref<1x19x8x1024xf32, #tpu.memory_space<vmem>>, vector<1x1x8x1024xf32>
    %get3A_214 = vector.shape_cast %get3A_213 : vector<1x1x8x1024xf32> to vector<8x1024xf32>
    %get3A_215 = arith.constant 0 : index
    %get3A_216 = arith.constant 17 : index
    %get3A_217 = arith.constant 0 : index
    %get3A_218 = arith.constant 0 : index
    %get3A_219 = vector.load %arg3[%get3A_215, %get3A_216, %get3A_217, %get3A_218] : memref<1x19x8x1024xf32, #tpu.memory_space<vmem>>, vector<1x1x8x1024xf32>
    %get3A_220 = vector.shape_cast %get3A_219 : vector<1x1x8x1024xf32> to vector<8x1024xf32>
    %get3A_221 = arith.constant 0 : index
    %get3A_222 = arith.constant 18 : index
    %get3A_223 = arith.constant 0 : index
    %get3A_224 = arith.constant 0 : index
    %get3A_225 = vector.load %arg3[%get3A_221, %get3A_222, %get3A_223, %get3A_224] : memref<1x19x8x1024xf32, #tpu.memory_space<vmem>>, vector<1x1x8x1024xf32>
    %get3A_226 = vector.shape_cast %get3A_225 : vector<1x1x8x1024xf32> to vector<8x1024xf32>
    %get3A_227 = arith.constant 0 : index
    %get3A_228 = arith.constant 0 : index
    %get3A_229 = arith.constant 0 : index
    %get3A_230 = vector.load %arg2[%get3A_227, %get3A_228, %get3A_229] : memref<1x8x1024xi32, #tpu.memory_space<vmem>>, vector<1x8x1024xi32>
    %get3A_231 = vector.shape_cast %get3A_230 : vector<1x8x1024xi32> to vector<8x1024xi32>
    %max3A = arith.maximumf %get3A_4, %get3A_10 : vector<8x1024xf32>
    %max3A_232 = arith.maximumf %max3A, %get3A_16 : vector<8x1024xf32>
    %max3A_233 = arith.maximumf %max3A_232, %get3A_22 : vector<8x1024xf32>
    %max3A_234 = arith.maximumf %max3A_233, %get3A_28 : vector<8x1024xf32>
    %max3A_235 = arith.maximumf %max3A_234, %get3A_34 : vector<8x1024xf32>
    %max3A_236 = arith.maximumf %max3A_235, %get3A_40 : vector<8x1024xf32>
    %max3A_237 = arith.maximumf %max3A_236, %get3A_46 : vector<8x1024xf32>
    %max3A_238 = arith.maximumf %max3A_237, %get3A_52 : vector<8x1024xf32>
    %max3A_239 = arith.maximumf %max3A_238, %get3A_58 : vector<8x1024xf32>
    %max3A_240 = arith.maximumf %max3A_239, %get3A_64 : vector<8x1024xf32>
    %max3A_241 = arith.maximumf %max3A_240, %get3A_70 : vector<8x1024xf32>
    %max3A_242 = arith.maximumf %max3A_241, %get3A_76 : vector<8x1024xf32>
    %max3A_243 = arith.maximumf %max3A_242, %get3A_82 : vector<8x1024xf32>
    %max3A_244 = arith.maximumf %max3A_243, %get3A_88 : vector<8x1024xf32>
    %max3A_245 = arith.maximumf %max3A_244, %get3A_94 : vector<8x1024xf32>
    %max3A_246 = arith.maximumf %max3A_245, %get3A_100 : vector<8x1024xf32>
    %max3A_247 = arith.maximumf %max3A_246, %get3A_106 : vector<8x1024xf32>
    %max3A_248 = arith.maximumf %max3A_247, %get3A_112 : vector<8x1024xf32>
    %sub3A = arith.subf %get3A_4, %max3A_248 : vector<8x1024xf32>
    %exp3A = math.exp %sub3A : vector<8x1024xf32>
    %sub3A_249 = arith.subf %get3A_10, %max3A_248 : vector<8x1024xf32>
    %exp3A_250 = math.exp %sub3A_249 : vector<8x1024xf32>
    %add3A = arith.addf %exp3A, %exp3A_250 : vector<8x1024xf32>
    %sub3A_251 = arith.subf %get3A_16, %max3A_248 : vector<8x1024xf32>
    %exp3A_252 = math.exp %sub3A_251 : vector<8x1024xf32>
    %add3A_253 = arith.addf %add3A, %exp3A_252 : vector<8x1024xf32>
    %sub3A_254 = arith.subf %get3A_22, %max3A_248 : vector<8x1024xf32>
    %exp3A_255 = math.exp %sub3A_254 : vector<8x1024xf32>
    %add3A_256 = arith.addf %add3A_253, %exp3A_255 : vector<8x1024xf32>
    %sub3A_257 = arith.subf %get3A_28, %max3A_248 : vector<8x1024xf32>
    %exp3A_258 = math.exp %sub3A_257 : vector<8x1024xf32>
    %add3A_259 = arith.addf %add3A_256, %exp3A_258 : vector<8x1024xf32>
    %sub3A_260 = arith.subf %get3A_34, %max3A_248 : vector<8x1024xf32>
    %exp3A_261 = math.exp %sub3A_260 : vector<8x1024xf32>
    %add3A_262 = arith.addf %add3A_259, %exp3A_261 : vector<8x1024xf32>
    %sub3A_263 = arith.subf %get3A_40, %max3A_248 : vector<8x1024xf32>
    %exp3A_264 = math.exp %sub3A_263 : vector<8x1024xf32>
    %add3A_265 = arith.addf %add3A_262, %exp3A_264 : vector<8x1024xf32>
    %sub3A_266 = arith.subf %get3A_46, %max3A_248 : vector<8x1024xf32>
    %exp3A_267 = math.exp %sub3A_266 : vector<8x1024xf32>
    %add3A_268 = arith.addf %add3A_265, %exp3A_267 : vector<8x1024xf32>
    %sub3A_269 = arith.subf %get3A_52, %max3A_248 : vector<8x1024xf32>
    %exp3A_270 = math.exp %sub3A_269 : vector<8x1024xf32>
    %add3A_271 = arith.addf %add3A_268, %exp3A_270 : vector<8x1024xf32>
    %sub3A_272 = arith.subf %get3A_58, %max3A_248 : vector<8x1024xf32>
    %exp3A_273 = math.exp %sub3A_272 : vector<8x1024xf32>
    %add3A_274 = arith.addf %add3A_271, %exp3A_273 : vector<8x1024xf32>
    %sub3A_275 = arith.subf %get3A_64, %max3A_248 : vector<8x1024xf32>
    %exp3A_276 = math.exp %sub3A_275 : vector<8x1024xf32>
    %add3A_277 = arith.addf %add3A_274, %exp3A_276 : vector<8x1024xf32>
    %sub3A_278 = arith.subf %get3A_70, %max3A_248 : vector<8x1024xf32>
    %exp3A_279 = math.exp %sub3A_278 : vector<8x1024xf32>
    %add3A_280 = arith.addf %add3A_277, %exp3A_279 : vector<8x1024xf32>
    %sub3A_281 = arith.subf %get3A_76, %max3A_248 : vector<8x1024xf32>
    %exp3A_282 = math.exp %sub3A_281 : vector<8x1024xf32>
    %add3A_283 = arith.addf %add3A_280, %exp3A_282 : vector<8x1024xf32>
    %sub3A_284 = arith.subf %get3A_82, %max3A_248 : vector<8x1024xf32>
    %exp3A_285 = math.exp %sub3A_284 : vector<8x1024xf32>
    %add3A_286 = arith.addf %add3A_283, %exp3A_285 : vector<8x1024xf32>
    %sub3A_287 = arith.subf %get3A_88, %max3A_248 : vector<8x1024xf32>
    %exp3A_288 = math.exp %sub3A_287 : vector<8x1024xf32>
    %add3A_289 = arith.addf %add3A_286, %exp3A_288 : vector<8x1024xf32>
    %sub3A_290 = arith.subf %get3A_94, %max3A_248 : vector<8x1024xf32>
    %exp3A_291 = math.exp %sub3A_290 : vector<8x1024xf32>
    %add3A_292 = arith.addf %add3A_289, %exp3A_291 : vector<8x1024xf32>
    %sub3A_293 = arith.subf %get3A_100, %max3A_248 : vector<8x1024xf32>
    %exp3A_294 = math.exp %sub3A_293 : vector<8x1024xf32>
    %add3A_295 = arith.addf %add3A_292, %exp3A_294 : vector<8x1024xf32>
    %sub3A_296 = arith.subf %get3A_106, %max3A_248 : vector<8x1024xf32>
    %exp3A_297 = math.exp %sub3A_296 : vector<8x1024xf32>
    %add3A_298 = arith.addf %add3A_295, %exp3A_297 : vector<8x1024xf32>
    %sub3A_299 = arith.subf %get3A_112, %max3A_248 : vector<8x1024xf32>
    %exp3A_300 = math.exp %sub3A_299 : vector<8x1024xf32>
    %add3A_301 = arith.addf %add3A_298, %exp3A_300 : vector<8x1024xf32>
    %log3A = math.log %add3A_301 : vector<8x1024xf32>
    %add3A_302 = arith.addf %log3A, %max3A_248 : vector<8x1024xf32>
    %broadcast_in_dim3A = arith.constant 0 : i32
    %broadcast_in_dim3A_303 = vector.broadcast %broadcast_in_dim3A : i32 to vector<8x1024xi32>
    %gt3A = arith.cmpf ogt, %get3A_124, %get3A_118 : vector<8x1024xf32>
    %select_n3A = arith.select %gt3A, %get3A_124, %get3A_118 : vector<8x1024xi1>, vector<8x1024xf32>
    %jit3A = arith.constant 1 : i32
    %broadcast_in_dim3A_304 = vector.broadcast %jit3A : i32 to vector<8x1024xi32>
    %select_n3A_305 = arith.select %gt3A, %broadcast_in_dim3A_304, %broadcast_in_dim3A_303 : vector<8x1024xi1>, vector<8x1024xi32>
    %gt3A_306 = arith.cmpf ogt, %get3A_130, %select_n3A : vector<8x1024xf32>
    %select_n3A_307 = arith.select %gt3A_306, %get3A_130, %select_n3A : vector<8x1024xi1>, vector<8x1024xf32>
    %jit3A_308 = arith.constant 2 : i32
    %broadcast_in_dim3A_309 = vector.broadcast %jit3A_308 : i32 to vector<8x1024xi32>
    %select_n3A_310 = arith.select %gt3A_306, %broadcast_in_dim3A_309, %select_n3A_305 : vector<8x1024xi1>, vector<8x1024xi32>
    %gt3A_311 = arith.cmpf ogt, %get3A_136, %select_n3A_307 : vector<8x1024xf32>
    %select_n3A_312 = arith.select %gt3A_311, %get3A_136, %select_n3A_307 : vector<8x1024xi1>, vector<8x1024xf32>
    %jit3A_313 = arith.constant 3 : i32
    %broadcast_in_dim3A_314 = vector.broadcast %jit3A_313 : i32 to vector<8x1024xi32>
    %select_n3A_315 = arith.select %gt3A_311, %broadcast_in_dim3A_314, %select_n3A_310 : vector<8x1024xi1>, vector<8x1024xi32>
    %gt3A_316 = arith.cmpf ogt, %get3A_142, %select_n3A_312 : vector<8x1024xf32>
    %select_n3A_317 = arith.select %gt3A_316, %get3A_142, %select_n3A_312 : vector<8x1024xi1>, vector<8x1024xf32>
    %jit3A_318 = arith.constant 4 : i32
    %broadcast_in_dim3A_319 = vector.broadcast %jit3A_318 : i32 to vector<8x1024xi32>
    %select_n3A_320 = arith.select %gt3A_316, %broadcast_in_dim3A_319, %select_n3A_315 : vector<8x1024xi1>, vector<8x1024xi32>
    %gt3A_321 = arith.cmpf ogt, %get3A_148, %select_n3A_317 : vector<8x1024xf32>
    %select_n3A_322 = arith.select %gt3A_321, %get3A_148, %select_n3A_317 : vector<8x1024xi1>, vector<8x1024xf32>
    %jit3A_323 = arith.constant 5 : i32
    %broadcast_in_dim3A_324 = vector.broadcast %jit3A_323 : i32 to vector<8x1024xi32>
    %select_n3A_325 = arith.select %gt3A_321, %broadcast_in_dim3A_324, %select_n3A_320 : vector<8x1024xi1>, vector<8x1024xi32>
    %gt3A_326 = arith.cmpf ogt, %get3A_154, %select_n3A_322 : vector<8x1024xf32>
    %select_n3A_327 = arith.select %gt3A_326, %get3A_154, %select_n3A_322 : vector<8x1024xi1>, vector<8x1024xf32>
    %jit3A_328 = arith.constant 6 : i32
    %broadcast_in_dim3A_329 = vector.broadcast %jit3A_328 : i32 to vector<8x1024xi32>
    %select_n3A_330 = arith.select %gt3A_326, %broadcast_in_dim3A_329, %select_n3A_325 : vector<8x1024xi1>, vector<8x1024xi32>
    %gt3A_331 = arith.cmpf ogt, %get3A_160, %select_n3A_327 : vector<8x1024xf32>
    %select_n3A_332 = arith.select %gt3A_331, %get3A_160, %select_n3A_327 : vector<8x1024xi1>, vector<8x1024xf32>
    %jit3A_333 = arith.constant 7 : i32
    %broadcast_in_dim3A_334 = vector.broadcast %jit3A_333 : i32 to vector<8x1024xi32>
    %select_n3A_335 = arith.select %gt3A_331, %broadcast_in_dim3A_334, %select_n3A_330 : vector<8x1024xi1>, vector<8x1024xi32>
    %gt3A_336 = arith.cmpf ogt, %get3A_166, %select_n3A_332 : vector<8x1024xf32>
    %select_n3A_337 = arith.select %gt3A_336, %get3A_166, %select_n3A_332 : vector<8x1024xi1>, vector<8x1024xf32>
    %jit3A_338 = arith.constant 8 : i32
    %broadcast_in_dim3A_339 = vector.broadcast %jit3A_338 : i32 to vector<8x1024xi32>
    %select_n3A_340 = arith.select %gt3A_336, %broadcast_in_dim3A_339, %select_n3A_335 : vector<8x1024xi1>, vector<8x1024xi32>
    %gt3A_341 = arith.cmpf ogt, %get3A_172, %select_n3A_337 : vector<8x1024xf32>
    %select_n3A_342 = arith.select %gt3A_341, %get3A_172, %select_n3A_337 : vector<8x1024xi1>, vector<8x1024xf32>
    %jit3A_343 = arith.constant 9 : i32
    %broadcast_in_dim3A_344 = vector.broadcast %jit3A_343 : i32 to vector<8x1024xi32>
    %select_n3A_345 = arith.select %gt3A_341, %broadcast_in_dim3A_344, %select_n3A_340 : vector<8x1024xi1>, vector<8x1024xi32>
    %gt3A_346 = arith.cmpf ogt, %get3A_178, %select_n3A_342 : vector<8x1024xf32>
    %select_n3A_347 = arith.select %gt3A_346, %get3A_178, %select_n3A_342 : vector<8x1024xi1>, vector<8x1024xf32>
    %jit3A_348 = arith.constant 10 : i32
    %broadcast_in_dim3A_349 = vector.broadcast %jit3A_348 : i32 to vector<8x1024xi32>
    %select_n3A_350 = arith.select %gt3A_346, %broadcast_in_dim3A_349, %select_n3A_345 : vector<8x1024xi1>, vector<8x1024xi32>
    %gt3A_351 = arith.cmpf ogt, %get3A_184, %select_n3A_347 : vector<8x1024xf32>
    %select_n3A_352 = arith.select %gt3A_351, %get3A_184, %select_n3A_347 : vector<8x1024xi1>, vector<8x1024xf32>
    %jit3A_353 = arith.constant 11 : i32
    %broadcast_in_dim3A_354 = vector.broadcast %jit3A_353 : i32 to vector<8x1024xi32>
    %select_n3A_355 = arith.select %gt3A_351, %broadcast_in_dim3A_354, %select_n3A_350 : vector<8x1024xi1>, vector<8x1024xi32>
    %gt3A_356 = arith.cmpf ogt, %get3A_190, %select_n3A_352 : vector<8x1024xf32>
    %select_n3A_357 = arith.select %gt3A_356, %get3A_190, %select_n3A_352 : vector<8x1024xi1>, vector<8x1024xf32>
    %jit3A_358 = arith.constant 12 : i32
    %broadcast_in_dim3A_359 = vector.broadcast %jit3A_358 : i32 to vector<8x1024xi32>
    %select_n3A_360 = arith.select %gt3A_356, %broadcast_in_dim3A_359, %select_n3A_355 : vector<8x1024xi1>, vector<8x1024xi32>
    %gt3A_361 = arith.cmpf ogt, %get3A_196, %select_n3A_357 : vector<8x1024xf32>
    %select_n3A_362 = arith.select %gt3A_361, %get3A_196, %select_n3A_357 : vector<8x1024xi1>, vector<8x1024xf32>
    %jit3A_363 = arith.constant 13 : i32
    %broadcast_in_dim3A_364 = vector.broadcast %jit3A_363 : i32 to vector<8x1024xi32>
    %select_n3A_365 = arith.select %gt3A_361, %broadcast_in_dim3A_364, %select_n3A_360 : vector<8x1024xi1>, vector<8x1024xi32>
    %gt3A_366 = arith.cmpf ogt, %get3A_202, %select_n3A_362 : vector<8x1024xf32>
    %select_n3A_367 = arith.select %gt3A_366, %get3A_202, %select_n3A_362 : vector<8x1024xi1>, vector<8x1024xf32>
    %jit3A_368 = arith.constant 14 : i32
    %broadcast_in_dim3A_369 = vector.broadcast %jit3A_368 : i32 to vector<8x1024xi32>
    %select_n3A_370 = arith.select %gt3A_366, %broadcast_in_dim3A_369, %select_n3A_365 : vector<8x1024xi1>, vector<8x1024xi32>
    %gt3A_371 = arith.cmpf ogt, %get3A_208, %select_n3A_367 : vector<8x1024xf32>
    %select_n3A_372 = arith.select %gt3A_371, %get3A_208, %select_n3A_367 : vector<8x1024xi1>, vector<8x1024xf32>
    %jit3A_373 = arith.constant 15 : i32
    %broadcast_in_dim3A_374 = vector.broadcast %jit3A_373 : i32 to vector<8x1024xi32>
    %select_n3A_375 = arith.select %gt3A_371, %broadcast_in_dim3A_374, %select_n3A_370 : vector<8x1024xi1>, vector<8x1024xi32>
    %gt3A_376 = arith.cmpf ogt, %get3A_214, %select_n3A_372 : vector<8x1024xf32>
    %select_n3A_377 = arith.select %gt3A_376, %get3A_214, %select_n3A_372 : vector<8x1024xi1>, vector<8x1024xf32>
    %jit3A_378 = arith.constant 16 : i32
    %broadcast_in_dim3A_379 = vector.broadcast %jit3A_378 : i32 to vector<8x1024xi32>
    %select_n3A_380 = arith.select %gt3A_376, %broadcast_in_dim3A_379, %select_n3A_375 : vector<8x1024xi1>, vector<8x1024xi32>
    %gt3A_381 = arith.cmpf ogt, %get3A_220, %select_n3A_377 : vector<8x1024xf32>
    %select_n3A_382 = arith.select %gt3A_381, %get3A_220, %select_n3A_377 : vector<8x1024xi1>, vector<8x1024xf32>
    %jit3A_383 = arith.constant 17 : i32
    %broadcast_in_dim3A_384 = vector.broadcast %jit3A_383 : i32 to vector<8x1024xi32>
    %select_n3A_385 = arith.select %gt3A_381, %broadcast_in_dim3A_384, %select_n3A_380 : vector<8x1024xi1>, vector<8x1024xi32>
    %gt3A_386 = arith.cmpf ogt, %get3A_226, %select_n3A_382 : vector<8x1024xf32>
    %jit3A_387 = arith.constant 18 : i32
    %broadcast_in_dim3A_388 = vector.broadcast %jit3A_387 : i32 to vector<8x1024xi32>
    %select_n3A_389 = arith.select %gt3A_386, %broadcast_in_dim3A_388, %select_n3A_385 : vector<8x1024xi1>, vector<8x1024xi32>
    %eq3A = arith.constant 0 : i32
    %eq3A_390 = vector.broadcast %eq3A : i32 to vector<8x1024xi32>
    %eq3A_391 = arith.cmpi eq, %get3A_231, %eq3A_390 : vector<8x1024xi32>
    %jit3A_392 = arith.constant 0.000000e+00 : f32
    %broadcast_in_dim3A_393 = vector.broadcast %jit3A_392 : f32 to vector<8x1024xf32>
    %select_n3A_394 = arith.select %eq3A_391, %get3A_4, %broadcast_in_dim3A_393 : vector<8x1024xi1>, vector<8x1024xf32>
    %eq3A_395 = arith.constant 0 : i32
    %eq3A_396 = vector.broadcast %eq3A_395 : i32 to vector<8x1024xi32>
    %eq3A_397 = arith.cmpi eq, %select_n3A_389, %eq3A_396 : vector<8x1024xi32>
    %jit3A_398 = arith.constant 0.000000e+00 : f32
    %broadcast_in_dim3A_399 = vector.broadcast %jit3A_398 : f32 to vector<8x1024xf32>
    %select_n3A_400 = arith.select %eq3A_397, %get3A_4, %broadcast_in_dim3A_399 : vector<8x1024xi1>, vector<8x1024xf32>
    %eq3A_401 = arith.constant 1 : i32
    %eq3A_402 = vector.broadcast %eq3A_401 : i32 to vector<8x1024xi32>
    %eq3A_403 = arith.cmpi eq, %get3A_231, %eq3A_402 : vector<8x1024xi32>
    %jit3A_404 = arith.constant 0.000000e+00 : f32
    %broadcast_in_dim3A_405 = vector.broadcast %jit3A_404 : f32 to vector<8x1024xf32>
    %select_n3A_406 = arith.select %eq3A_403, %get3A_10, %broadcast_in_dim3A_405 : vector<8x1024xi1>, vector<8x1024xf32>
    %add3A_407 = arith.addf %select_n3A_394, %select_n3A_406 : vector<8x1024xf32>
    %eq3A_408 = arith.constant 1 : i32
    %eq3A_409 = vector.broadcast %eq3A_408 : i32 to vector<8x1024xi32>
    %eq3A_410 = arith.cmpi eq, %select_n3A_389, %eq3A_409 : vector<8x1024xi32>
    %jit3A_411 = arith.constant 0.000000e+00 : f32
    %broadcast_in_dim3A_412 = vector.broadcast %jit3A_411 : f32 to vector<8x1024xf32>
    %select_n3A_413 = arith.select %eq3A_410, %get3A_10, %broadcast_in_dim3A_412 : vector<8x1024xi1>, vector<8x1024xf32>
    %add3A_414 = arith.addf %select_n3A_400, %select_n3A_413 : vector<8x1024xf32>
    %eq3A_415 = arith.constant 2 : i32
    %eq3A_416 = vector.broadcast %eq3A_415 : i32 to vector<8x1024xi32>
    %eq3A_417 = arith.cmpi eq, %get3A_231, %eq3A_416 : vector<8x1024xi32>
    %jit3A_418 = arith.constant 0.000000e+00 : f32
    %broadcast_in_dim3A_419 = vector.broadcast %jit3A_418 : f32 to vector<8x1024xf32>
    %select_n3A_420 = arith.select %eq3A_417, %get3A_16, %broadcast_in_dim3A_419 : vector<8x1024xi1>, vector<8x1024xf32>
    %add3A_421 = arith.addf %add3A_407, %select_n3A_420 : vector<8x1024xf32>
    %eq3A_422 = arith.constant 2 : i32
    %eq3A_423 = vector.broadcast %eq3A_422 : i32 to vector<8x1024xi32>
    %eq3A_424 = arith.cmpi eq, %select_n3A_389, %eq3A_423 : vector<8x1024xi32>
    %jit3A_425 = arith.constant 0.000000e+00 : f32
    %broadcast_in_dim3A_426 = vector.broadcast %jit3A_425 : f32 to vector<8x1024xf32>
    %select_n3A_427 = arith.select %eq3A_424, %get3A_16, %broadcast_in_dim3A_426 : vector<8x1024xi1>, vector<8x1024xf32>
    %add3A_428 = arith.addf %add3A_414, %select_n3A_427 : vector<8x1024xf32>
    %eq3A_429 = arith.constant 3 : i32
    %eq3A_430 = vector.broadcast %eq3A_429 : i32 to vector<8x1024xi32>
    %eq3A_431 = arith.cmpi eq, %get3A_231, %eq3A_430 : vector<8x1024xi32>
    %jit3A_432 = arith.constant 0.000000e+00 : f32
    %broadcast_in_dim3A_433 = vector.broadcast %jit3A_432 : f32 to vector<8x1024xf32>
    %select_n3A_434 = arith.select %eq3A_431, %get3A_22, %broadcast_in_dim3A_433 : vector<8x1024xi1>, vector<8x1024xf32>
    %add3A_435 = arith.addf %add3A_421, %select_n3A_434 : vector<8x1024xf32>
    %eq3A_436 = arith.constant 3 : i32
    %eq3A_437 = vector.broadcast %eq3A_436 : i32 to vector<8x1024xi32>
    %eq3A_438 = arith.cmpi eq, %select_n3A_389, %eq3A_437 : vector<8x1024xi32>
    %jit3A_439 = arith.constant 0.000000e+00 : f32
    %broadcast_in_dim3A_440 = vector.broadcast %jit3A_439 : f32 to vector<8x1024xf32>
    %select_n3A_441 = arith.select %eq3A_438, %get3A_22, %broadcast_in_dim3A_440 : vector<8x1024xi1>, vector<8x1024xf32>
    %add3A_442 = arith.addf %add3A_428, %select_n3A_441 : vector<8x1024xf32>
    %eq3A_443 = arith.constant 4 : i32
    %eq3A_444 = vector.broadcast %eq3A_443 : i32 to vector<8x1024xi32>
    %eq3A_445 = arith.cmpi eq, %get3A_231, %eq3A_444 : vector<8x1024xi32>
    %jit3A_446 = arith.constant 0.000000e+00 : f32
    %broadcast_in_dim3A_447 = vector.broadcast %jit3A_446 : f32 to vector<8x1024xf32>
    %select_n3A_448 = arith.select %eq3A_445, %get3A_28, %broadcast_in_dim3A_447 : vector<8x1024xi1>, vector<8x1024xf32>
    %add3A_449 = arith.addf %add3A_435, %select_n3A_448 : vector<8x1024xf32>
    %eq3A_450 = arith.constant 4 : i32
    %eq3A_451 = vector.broadcast %eq3A_450 : i32 to vector<8x1024xi32>
    %eq3A_452 = arith.cmpi eq, %select_n3A_389, %eq3A_451 : vector<8x1024xi32>
    %jit3A_453 = arith.constant 0.000000e+00 : f32
    %broadcast_in_dim3A_454 = vector.broadcast %jit3A_453 : f32 to vector<8x1024xf32>
    %select_n3A_455 = arith.select %eq3A_452, %get3A_28, %broadcast_in_dim3A_454 : vector<8x1024xi1>, vector<8x1024xf32>
    %add3A_456 = arith.addf %add3A_442, %select_n3A_455 : vector<8x1024xf32>
    %eq3A_457 = arith.constant 5 : i32
    %eq3A_458 = vector.broadcast %eq3A_457 : i32 to vector<8x1024xi32>
    %eq3A_459 = arith.cmpi eq, %get3A_231, %eq3A_458 : vector<8x1024xi32>
    %jit3A_460 = arith.constant 0.000000e+00 : f32
    %broadcast_in_dim3A_461 = vector.broadcast %jit3A_460 : f32 to vector<8x1024xf32>
    %select_n3A_462 = arith.select %eq3A_459, %get3A_34, %broadcast_in_dim3A_461 : vector<8x1024xi1>, vector<8x1024xf32>
    %add3A_463 = arith.addf %add3A_449, %select_n3A_462 : vector<8x1024xf32>
    %eq3A_464 = arith.constant 5 : i32
    %eq3A_465 = vector.broadcast %eq3A_464 : i32 to vector<8x1024xi32>
    %eq3A_466 = arith.cmpi eq, %select_n3A_389, %eq3A_465 : vector<8x1024xi32>
    %jit3A_467 = arith.constant 0.000000e+00 : f32
    %broadcast_in_dim3A_468 = vector.broadcast %jit3A_467 : f32 to vector<8x1024xf32>
    %select_n3A_469 = arith.select %eq3A_466, %get3A_34, %broadcast_in_dim3A_468 : vector<8x1024xi1>, vector<8x1024xf32>
    %add3A_470 = arith.addf %add3A_456, %select_n3A_469 : vector<8x1024xf32>
    %eq3A_471 = arith.constant 6 : i32
    %eq3A_472 = vector.broadcast %eq3A_471 : i32 to vector<8x1024xi32>
    %eq3A_473 = arith.cmpi eq, %get3A_231, %eq3A_472 : vector<8x1024xi32>
    %jit3A_474 = arith.constant 0.000000e+00 : f32
    %broadcast_in_dim3A_475 = vector.broadcast %jit3A_474 : f32 to vector<8x1024xf32>
    %select_n3A_476 = arith.select %eq3A_473, %get3A_40, %broadcast_in_dim3A_475 : vector<8x1024xi1>, vector<8x1024xf32>
    %add3A_477 = arith.addf %add3A_463, %select_n3A_476 : vector<8x1024xf32>
    %eq3A_478 = arith.constant 6 : i32
    %eq3A_479 = vector.broadcast %eq3A_478 : i32 to vector<8x1024xi32>
    %eq3A_480 = arith.cmpi eq, %select_n3A_389, %eq3A_479 : vector<8x1024xi32>
    %jit3A_481 = arith.constant 0.000000e+00 : f32
    %broadcast_in_dim3A_482 = vector.broadcast %jit3A_481 : f32 to vector<8x1024xf32>
    %select_n3A_483 = arith.select %eq3A_480, %get3A_40, %broadcast_in_dim3A_482 : vector<8x1024xi1>, vector<8x1024xf32>
    %add3A_484 = arith.addf %add3A_470, %select_n3A_483 : vector<8x1024xf32>
    %eq3A_485 = arith.constant 7 : i32
    %eq3A_486 = vector.broadcast %eq3A_485 : i32 to vector<8x1024xi32>
    %eq3A_487 = arith.cmpi eq, %get3A_231, %eq3A_486 : vector<8x1024xi32>
    %jit3A_488 = arith.constant 0.000000e+00 : f32
    %broadcast_in_dim3A_489 = vector.broadcast %jit3A_488 : f32 to vector<8x1024xf32>
    %select_n3A_490 = arith.select %eq3A_487, %get3A_46, %broadcast_in_dim3A_489 : vector<8x1024xi1>, vector<8x1024xf32>
    %add3A_491 = arith.addf %add3A_477, %select_n3A_490 : vector<8x1024xf32>
    %eq3A_492 = arith.constant 7 : i32
    %eq3A_493 = vector.broadcast %eq3A_492 : i32 to vector<8x1024xi32>
    %eq3A_494 = arith.cmpi eq, %select_n3A_389, %eq3A_493 : vector<8x1024xi32>
    %jit3A_495 = arith.constant 0.000000e+00 : f32
    %broadcast_in_dim3A_496 = vector.broadcast %jit3A_495 : f32 to vector<8x1024xf32>
    %select_n3A_497 = arith.select %eq3A_494, %get3A_46, %broadcast_in_dim3A_496 : vector<8x1024xi1>, vector<8x1024xf32>
    %add3A_498 = arith.addf %add3A_484, %select_n3A_497 : vector<8x1024xf32>
    %eq3A_499 = arith.constant 8 : i32
    %eq3A_500 = vector.broadcast %eq3A_499 : i32 to vector<8x1024xi32>
    %eq3A_501 = arith.cmpi eq, %get3A_231, %eq3A_500 : vector<8x1024xi32>
    %jit3A_502 = arith.constant 0.000000e+00 : f32
    %broadcast_in_dim3A_503 = vector.broadcast %jit3A_502 : f32 to vector<8x1024xf32>
    %select_n3A_504 = arith.select %eq3A_501, %get3A_52, %broadcast_in_dim3A_503 : vector<8x1024xi1>, vector<8x1024xf32>
    %add3A_505 = arith.addf %add3A_491, %select_n3A_504 : vector<8x1024xf32>
    %eq3A_506 = arith.constant 8 : i32
    %eq3A_507 = vector.broadcast %eq3A_506 : i32 to vector<8x1024xi32>
    %eq3A_508 = arith.cmpi eq, %select_n3A_389, %eq3A_507 : vector<8x1024xi32>
    %jit3A_509 = arith.constant 0.000000e+00 : f32
    %broadcast_in_dim3A_510 = vector.broadcast %jit3A_509 : f32 to vector<8x1024xf32>
    %select_n3A_511 = arith.select %eq3A_508, %get3A_52, %broadcast_in_dim3A_510 : vector<8x1024xi1>, vector<8x1024xf32>
    %add3A_512 = arith.addf %add3A_498, %select_n3A_511 : vector<8x1024xf32>
    %eq3A_513 = arith.constant 9 : i32
    %eq3A_514 = vector.broadcast %eq3A_513 : i32 to vector<8x1024xi32>
    %eq3A_515 = arith.cmpi eq, %get3A_231, %eq3A_514 : vector<8x1024xi32>
    %jit3A_516 = arith.constant 0.000000e+00 : f32
    %broadcast_in_dim3A_517 = vector.broadcast %jit3A_516 : f32 to vector<8x1024xf32>
    %select_n3A_518 = arith.select %eq3A_515, %get3A_58, %broadcast_in_dim3A_517 : vector<8x1024xi1>, vector<8x1024xf32>
    %add3A_519 = arith.addf %add3A_505, %select_n3A_518 : vector<8x1024xf32>
    %eq3A_520 = arith.constant 9 : i32
    %eq3A_521 = vector.broadcast %eq3A_520 : i32 to vector<8x1024xi32>
    %eq3A_522 = arith.cmpi eq, %select_n3A_389, %eq3A_521 : vector<8x1024xi32>
    %jit3A_523 = arith.constant 0.000000e+00 : f32
    %broadcast_in_dim3A_524 = vector.broadcast %jit3A_523 : f32 to vector<8x1024xf32>
    %select_n3A_525 = arith.select %eq3A_522, %get3A_58, %broadcast_in_dim3A_524 : vector<8x1024xi1>, vector<8x1024xf32>
    %add3A_526 = arith.addf %add3A_512, %select_n3A_525 : vector<8x1024xf32>
    %eq3A_527 = arith.constant 10 : i32
    %eq3A_528 = vector.broadcast %eq3A_527 : i32 to vector<8x1024xi32>
    %eq3A_529 = arith.cmpi eq, %get3A_231, %eq3A_528 : vector<8x1024xi32>
    %jit3A_530 = arith.constant 0.000000e+00 : f32
    %broadcast_in_dim3A_531 = vector.broadcast %jit3A_530 : f32 to vector<8x1024xf32>
    %select_n3A_532 = arith.select %eq3A_529, %get3A_64, %broadcast_in_dim3A_531 : vector<8x1024xi1>, vector<8x1024xf32>
    %add3A_533 = arith.addf %add3A_519, %select_n3A_532 : vector<8x1024xf32>
    %eq3A_534 = arith.constant 10 : i32
    %eq3A_535 = vector.broadcast %eq3A_534 : i32 to vector<8x1024xi32>
    %eq3A_536 = arith.cmpi eq, %select_n3A_389, %eq3A_535 : vector<8x1024xi32>
    %jit3A_537 = arith.constant 0.000000e+00 : f32
    %broadcast_in_dim3A_538 = vector.broadcast %jit3A_537 : f32 to vector<8x1024xf32>
    %select_n3A_539 = arith.select %eq3A_536, %get3A_64, %broadcast_in_dim3A_538 : vector<8x1024xi1>, vector<8x1024xf32>
    %add3A_540 = arith.addf %add3A_526, %select_n3A_539 : vector<8x1024xf32>
    %eq3A_541 = arith.constant 11 : i32
    %eq3A_542 = vector.broadcast %eq3A_541 : i32 to vector<8x1024xi32>
    %eq3A_543 = arith.cmpi eq, %get3A_231, %eq3A_542 : vector<8x1024xi32>
    %jit3A_544 = arith.constant 0.000000e+00 : f32
    %broadcast_in_dim3A_545 = vector.broadcast %jit3A_544 : f32 to vector<8x1024xf32>
    %select_n3A_546 = arith.select %eq3A_543, %get3A_70, %broadcast_in_dim3A_545 : vector<8x1024xi1>, vector<8x1024xf32>
    %add3A_547 = arith.addf %add3A_533, %select_n3A_546 : vector<8x1024xf32>
    %eq3A_548 = arith.constant 11 : i32
    %eq3A_549 = vector.broadcast %eq3A_548 : i32 to vector<8x1024xi32>
    %eq3A_550 = arith.cmpi eq, %select_n3A_389, %eq3A_549 : vector<8x1024xi32>
    %jit3A_551 = arith.constant 0.000000e+00 : f32
    %broadcast_in_dim3A_552 = vector.broadcast %jit3A_551 : f32 to vector<8x1024xf32>
    %select_n3A_553 = arith.select %eq3A_550, %get3A_70, %broadcast_in_dim3A_552 : vector<8x1024xi1>, vector<8x1024xf32>
    %add3A_554 = arith.addf %add3A_540, %select_n3A_553 : vector<8x1024xf32>
    %eq3A_555 = arith.constant 12 : i32
    %eq3A_556 = vector.broadcast %eq3A_555 : i32 to vector<8x1024xi32>
    %eq3A_557 = arith.cmpi eq, %get3A_231, %eq3A_556 : vector<8x1024xi32>
    %jit3A_558 = arith.constant 0.000000e+00 : f32
    %broadcast_in_dim3A_559 = vector.broadcast %jit3A_558 : f32 to vector<8x1024xf32>
    %select_n3A_560 = arith.select %eq3A_557, %get3A_76, %broadcast_in_dim3A_559 : vector<8x1024xi1>, vector<8x1024xf32>
    %add3A_561 = arith.addf %add3A_547, %select_n3A_560 : vector<8x1024xf32>
    %eq3A_562 = arith.constant 12 : i32
    %eq3A_563 = vector.broadcast %eq3A_562 : i32 to vector<8x1024xi32>
    %eq3A_564 = arith.cmpi eq, %select_n3A_389, %eq3A_563 : vector<8x1024xi32>
    %jit3A_565 = arith.constant 0.000000e+00 : f32
    %broadcast_in_dim3A_566 = vector.broadcast %jit3A_565 : f32 to vector<8x1024xf32>
    %select_n3A_567 = arith.select %eq3A_564, %get3A_76, %broadcast_in_dim3A_566 : vector<8x1024xi1>, vector<8x1024xf32>
    %add3A_568 = arith.addf %add3A_554, %select_n3A_567 : vector<8x1024xf32>
    %eq3A_569 = arith.constant 13 : i32
    %eq3A_570 = vector.broadcast %eq3A_569 : i32 to vector<8x1024xi32>
    %eq3A_571 = arith.cmpi eq, %get3A_231, %eq3A_570 : vector<8x1024xi32>
    %jit3A_572 = arith.constant 0.000000e+00 : f32
    %broadcast_in_dim3A_573 = vector.broadcast %jit3A_572 : f32 to vector<8x1024xf32>
    %select_n3A_574 = arith.select %eq3A_571, %get3A_82, %broadcast_in_dim3A_573 : vector<8x1024xi1>, vector<8x1024xf32>
    %add3A_575 = arith.addf %add3A_561, %select_n3A_574 : vector<8x1024xf32>
    %eq3A_576 = arith.constant 13 : i32
    %eq3A_577 = vector.broadcast %eq3A_576 : i32 to vector<8x1024xi32>
    %eq3A_578 = arith.cmpi eq, %select_n3A_389, %eq3A_577 : vector<8x1024xi32>
    %jit3A_579 = arith.constant 0.000000e+00 : f32
    %broadcast_in_dim3A_580 = vector.broadcast %jit3A_579 : f32 to vector<8x1024xf32>
    %select_n3A_581 = arith.select %eq3A_578, %get3A_82, %broadcast_in_dim3A_580 : vector<8x1024xi1>, vector<8x1024xf32>
    %add3A_582 = arith.addf %add3A_568, %select_n3A_581 : vector<8x1024xf32>
    %eq3A_583 = arith.constant 14 : i32
    %eq3A_584 = vector.broadcast %eq3A_583 : i32 to vector<8x1024xi32>
    %eq3A_585 = arith.cmpi eq, %get3A_231, %eq3A_584 : vector<8x1024xi32>
    %jit3A_586 = arith.constant 0.000000e+00 : f32
    %broadcast_in_dim3A_587 = vector.broadcast %jit3A_586 : f32 to vector<8x1024xf32>
    %select_n3A_588 = arith.select %eq3A_585, %get3A_88, %broadcast_in_dim3A_587 : vector<8x1024xi1>, vector<8x1024xf32>
    %add3A_589 = arith.addf %add3A_575, %select_n3A_588 : vector<8x1024xf32>
    %eq3A_590 = arith.constant 14 : i32
    %eq3A_591 = vector.broadcast %eq3A_590 : i32 to vector<8x1024xi32>
    %eq3A_592 = arith.cmpi eq, %select_n3A_389, %eq3A_591 : vector<8x1024xi32>
    %jit3A_593 = arith.constant 0.000000e+00 : f32
    %broadcast_in_dim3A_594 = vector.broadcast %jit3A_593 : f32 to vector<8x1024xf32>
    %select_n3A_595 = arith.select %eq3A_592, %get3A_88, %broadcast_in_dim3A_594 : vector<8x1024xi1>, vector<8x1024xf32>
    %add3A_596 = arith.addf %add3A_582, %select_n3A_595 : vector<8x1024xf32>
    %eq3A_597 = arith.constant 15 : i32
    %eq3A_598 = vector.broadcast %eq3A_597 : i32 to vector<8x1024xi32>
    %eq3A_599 = arith.cmpi eq, %get3A_231, %eq3A_598 : vector<8x1024xi32>
    %jit3A_600 = arith.constant 0.000000e+00 : f32
    %broadcast_in_dim3A_601 = vector.broadcast %jit3A_600 : f32 to vector<8x1024xf32>
    %select_n3A_602 = arith.select %eq3A_599, %get3A_94, %broadcast_in_dim3A_601 : vector<8x1024xi1>, vector<8x1024xf32>
    %add3A_603 = arith.addf %add3A_589, %select_n3A_602 : vector<8x1024xf32>
    %eq3A_604 = arith.constant 15 : i32
    %eq3A_605 = vector.broadcast %eq3A_604 : i32 to vector<8x1024xi32>
    %eq3A_606 = arith.cmpi eq, %select_n3A_389, %eq3A_605 : vector<8x1024xi32>
    %jit3A_607 = arith.constant 0.000000e+00 : f32
    %broadcast_in_dim3A_608 = vector.broadcast %jit3A_607 : f32 to vector<8x1024xf32>
    %select_n3A_609 = arith.select %eq3A_606, %get3A_94, %broadcast_in_dim3A_608 : vector<8x1024xi1>, vector<8x1024xf32>
    %add3A_610 = arith.addf %add3A_596, %select_n3A_609 : vector<8x1024xf32>
    %eq3A_611 = arith.constant 16 : i32
    %eq3A_612 = vector.broadcast %eq3A_611 : i32 to vector<8x1024xi32>
    %eq3A_613 = arith.cmpi eq, %get3A_231, %eq3A_612 : vector<8x1024xi32>
    %jit3A_614 = arith.constant 0.000000e+00 : f32
    %broadcast_in_dim3A_615 = vector.broadcast %jit3A_614 : f32 to vector<8x1024xf32>
    %select_n3A_616 = arith.select %eq3A_613, %get3A_100, %broadcast_in_dim3A_615 : vector<8x1024xi1>, vector<8x1024xf32>
    %add3A_617 = arith.addf %add3A_603, %select_n3A_616 : vector<8x1024xf32>
    %eq3A_618 = arith.constant 16 : i32
    %eq3A_619 = vector.broadcast %eq3A_618 : i32 to vector<8x1024xi32>
    %eq3A_620 = arith.cmpi eq, %select_n3A_389, %eq3A_619 : vector<8x1024xi32>
    %jit3A_621 = arith.constant 0.000000e+00 : f32
    %broadcast_in_dim3A_622 = vector.broadcast %jit3A_621 : f32 to vector<8x1024xf32>
    %select_n3A_623 = arith.select %eq3A_620, %get3A_100, %broadcast_in_dim3A_622 : vector<8x1024xi1>, vector<8x1024xf32>
    %add3A_624 = arith.addf %add3A_610, %select_n3A_623 : vector<8x1024xf32>
    %eq3A_625 = arith.constant 17 : i32
    %eq3A_626 = vector.broadcast %eq3A_625 : i32 to vector<8x1024xi32>
    %eq3A_627 = arith.cmpi eq, %get3A_231, %eq3A_626 : vector<8x1024xi32>
    %jit3A_628 = arith.constant 0.000000e+00 : f32
    %broadcast_in_dim3A_629 = vector.broadcast %jit3A_628 : f32 to vector<8x1024xf32>
    %select_n3A_630 = arith.select %eq3A_627, %get3A_106, %broadcast_in_dim3A_629 : vector<8x1024xi1>, vector<8x1024xf32>
    %add3A_631 = arith.addf %add3A_617, %select_n3A_630 : vector<8x1024xf32>
    %eq3A_632 = arith.constant 17 : i32
    %eq3A_633 = vector.broadcast %eq3A_632 : i32 to vector<8x1024xi32>
    %eq3A_634 = arith.cmpi eq, %select_n3A_389, %eq3A_633 : vector<8x1024xi32>
    %jit3A_635 = arith.constant 0.000000e+00 : f32
    %broadcast_in_dim3A_636 = vector.broadcast %jit3A_635 : f32 to vector<8x1024xf32>
    %select_n3A_637 = arith.select %eq3A_634, %get3A_106, %broadcast_in_dim3A_636 : vector<8x1024xi1>, vector<8x1024xf32>
    %add3A_638 = arith.addf %add3A_624, %select_n3A_637 : vector<8x1024xf32>
    %eq3A_639 = arith.constant 18 : i32
    %eq3A_640 = vector.broadcast %eq3A_639 : i32 to vector<8x1024xi32>
    %eq3A_641 = arith.cmpi eq, %get3A_231, %eq3A_640 : vector<8x1024xi32>
    %jit3A_642 = arith.constant 0.000000e+00 : f32
    %broadcast_in_dim3A_643 = vector.broadcast %jit3A_642 : f32 to vector<8x1024xf32>
    %select_n3A_644 = arith.select %eq3A_641, %get3A_112, %broadcast_in_dim3A_643 : vector<8x1024xi1>, vector<8x1024xf32>
    %add3A_645 = arith.addf %add3A_631, %select_n3A_644 : vector<8x1024xf32>
    %eq3A_646 = arith.constant 18 : i32
    %eq3A_647 = vector.broadcast %eq3A_646 : i32 to vector<8x1024xi32>
    %eq3A_648 = arith.cmpi eq, %select_n3A_389, %eq3A_647 : vector<8x1024xi32>
    %jit3A_649 = arith.constant 0.000000e+00 : f32
    %broadcast_in_dim3A_650 = vector.broadcast %jit3A_649 : f32 to vector<8x1024xf32>
    %select_n3A_651 = arith.select %eq3A_648, %get3A_112, %broadcast_in_dim3A_650 : vector<8x1024xi1>, vector<8x1024xf32>
    %add3A_652 = arith.addf %add3A_638, %select_n3A_651 : vector<8x1024xf32>
    %sub3A_653 = arith.subf %add3A_302, %add3A_645 : vector<8x1024xf32>
    %swap3A = arith.constant 0 : index
    %swap3A_654 = arith.constant 0 : index
    %swap3A_655 = vector.load %arg4[%swap3A, %swap3A_654] : memref<8x1024xf32, #tpu.memory_space<vmem>>, vector<8x1024xf32>
    tpu.vector_store %arg4[%swap3A, %swap3A_654], %sub3A_653 {strides = array<i32>} : memref<8x1024xf32, #tpu.memory_space<vmem>>, vector<8x1024xf32>,
    %sub3A_656 = arith.subf %add3A_302, %add3A_652 : vector<8x1024xf32>
    %swap3A_657 = arith.constant 0 : index
    %swap3A_658 = arith.constant 0 : index
    %swap3A_659 = vector.load %arg5[%swap3A_657, %swap3A_658] : memref<8x1024xf32, #tpu.memory_space<vmem>>, vector<8x1024xf32>
    tpu.vector_store %arg5[%swap3A_657, %swap3A_658], %sub3A_656 {strides = array<i32>} : memref<8x1024xf32, #tpu.memory_space<vmem>>, vector<8x1024xf32>,
    %ne3A = arith.constant 0 : i32
    %ne3A_660 = vector.broadcast %ne3A : i32 to vector<8x1024xi32>
    %ne3A_661 = arith.cmpi ne, %get3A_231, %ne3A_660 : vector<8x1024xi32>
    %ne3A_662 = arith.constant 0 : i32
    %ne3A_663 = vector.broadcast %ne3A_662 : i32 to vector<8x1024xi32>
    %ne3A_664 = arith.cmpi ne, %select_n3A_389, %ne3A_663 : vector<8x1024xi32>
    %and3A = arith.andi %ne3A_661, %ne3A_664 : vector<8x1024xi1>
    %convert_element_type3A = arith.extui %and3A : vector<8x1024xi1> to vector<8x1024xi32>
    %reduce_sum3A = vector.shape_cast %convert_element_type3A : vector<8x1024xi32> to vector<1x8x1024xi32>
    %reduce_sum3A_665 = arith.constant dense<0> : vector<1xi32>
    %reduce_sum3A_666 = vector.multi_reduction <add>, %reduce_sum3A, %reduce_sum3A_665 [1, 2] : vector<1x8x1024xi32> to vector<1xi32>
    %reduce_sum3A_667 = vector.shape_cast %reduce_sum3A_666 : vector<1xi32> to vector<1x1x1xi32>
    %reduce_sum3A_668 = vector.extract %reduce_sum3A_667[0, 0, 0] : i32 from vector<1x1x1xi32>
    %reduce_sum3A_669 = vector.shape_cast %get3A_231 : vector<8x1024xi32> to vector<1x8x1024xi32>
    %reduce_sum3A_670 = arith.constant dense<0> : vector<1xi32>
    %reduce_sum3A_671 = vector.multi_reduction <add>, %reduce_sum3A_669, %reduce_sum3A_670 [1, 2] : vector<1x8x1024xi32> to vector<1xi32>
    %reduce_sum3A_672 = vector.shape_cast %reduce_sum3A_671 : vector<1xi32> to vector<1x1x1xi32>
    %reduce_sum3A_673 = vector.extract %reduce_sum3A_672[0, 0, 0] : i32 from vector<1x1x1xi32>
    %reduce_sum3A_674 = vector.shape_cast %select_n3A_389 : vector<8x1024xi32> to vector<1x8x1024xi32>
    %reduce_sum3A_675 = arith.constant dense<0> : vector<1xi32>
    %reduce_sum3A_676 = vector.multi_reduction <add>, %reduce_sum3A_674, %reduce_sum3A_675 [1, 2] : vector<1x8x1024xi32> to vector<1xi32>
    %reduce_sum3A_677 = vector.shape_cast %reduce_sum3A_676 : vector<1xi32> to vector<1x1x1xi32>
    %reduce_sum3A_678 = vector.extract %reduce_sum3A_677[0, 0, 0] : i32 from vector<1x1x1xi32>
    %eq3A_679 = arith.constant 0 : i32
    %eq3A_680 = arith.cmpi eq, %arg0, %eq3A_679 : i32
    %convert_element_type3A_681 = arith.extui %eq3A_680 : i1 to i32
    %cond3A = arith.constant 0 : i32
    %cond3A_682 = arith.cmpi ne, %convert_element_type3A_681, %cond3A : i32
    scf.if %cond3A_682 {
      %swap3A_698 = arith.constant 0 : i32
      %swap3A_699 = arith.constant 0 : index
      %swap3A_700 = memref.load %arg6[%swap3A_699] : memref<4xi32, #tpu.memory_space<smem>>
      memref.store %swap3A_698, %arg6[%swap3A_699] : memref<4xi32, #tpu.memory_space<smem>>
      %swap3A_701 = arith.constant 0 : i32
      %swap3A_702 = arith.constant 1 : index
      %swap3A_703 = memref.load %arg6[%swap3A_702] : memref<4xi32, #tpu.memory_space<smem>>
      memref.store %swap3A_701, %arg6[%swap3A_702] : memref<4xi32, #tpu.memory_space<smem>>
      %swap3A_704 = arith.constant 0 : i32
      %swap3A_705 = arith.constant 2 : index
      %swap3A_706 = memref.load %arg6[%swap3A_705] : memref<4xi32, #tpu.memory_space<smem>>
      memref.store %swap3A_704, %arg6[%swap3A_705] : memref<4xi32, #tpu.memory_space<smem>>
    } else {
    }
    %get3A_683 = arith.constant 0 : index
    %get3A_684 = memref.load %arg6[%get3A_683] : memref<4xi32, #tpu.memory_space<smem>>
    %add3A_685 = arith.addi %get3A_684, %reduce_sum3A_668 : i32
    %swap3A_686 = arith.constant 0 : index
    %swap3A_687 = memref.load %arg6[%swap3A_686] : memref<4xi32, #tpu.memory_space<smem>>
    memref.store %add3A_685, %arg6[%swap3A_686] : memref<4xi32, #tpu.memory_space<smem>>
    %get3A_688 = arith.constant 1 : index
    %get3A_689 = memref.load %arg6[%get3A_688] : memref<4xi32, #tpu.memory_space<smem>>
    %add3A_690 = arith.addi %get3A_689, %reduce_sum3A_673 : i32
    %swap3A_691 = arith.constant 1 : index
    %swap3A_692 = memref.load %arg6[%swap3A_691] : memref<4xi32, #tpu.memory_space<smem>>
    memref.store %add3A_690, %arg6[%swap3A_691] : memref<4xi32, #tpu.memory_space<smem>>
    %get3A_693 = arith.constant 2 : index
    %get3A_694 = memref.load %arg6[%get3A_693] : memref<4xi32, #tpu.memory_space<smem>>
    %add3A_695 = arith.addi %get3A_694, %reduce_sum3A_678 : i32
    %swap3A_696 = arith.constant 2 : index
    %swap3A_697 = memref.load %arg6[%swap3A_696] : memref<4xi32, #tpu.memory_space<smem>>
    memref.store %add3A_695, %arg6[%swap3A_696] : memref<4xi32, #tpu.memory_space<smem>>
    return
  }
  func.func @transform_0(%arg0: i32) -> (i32, i32, i32, i32) {
    %c0_i32 = arith.constant 0 : i32
    %c0_i32_0 = arith.constant 0 : i32
    %c0_i32_1 = arith.constant 0 : i32
    %c0_i32_2 = arith.constant 0 : i32
    return %c0_i32, %c0_i32_0, %arg0, %c0_i32_1 : i32, i32, i32, i32
  }
  func.func @transform_1(%arg0: i32) -> (i32, i32, i32) {
    %c0_i32 = arith.constant 0 : i32
    %c0_i32_0 = arith.constant 0 : i32
    %c0_i32_1 = arith.constant 0 : i32
    return %c0_i32, %arg0, %c0_i32_0 : i32, i32, i32
  }
  func.func @transform_2(%arg0: i32) -> (i32, i32, i32, i32) {
    %c0_i32 = arith.constant 0 : i32
    %c0_i32_0 = arith.constant 0 : i32
    %c0_i32_1 = arith.constant 0 : i32
    %c0_i32_2 = arith.constant 0 : i32
    return %c0_i32, %c0_i32_0, %arg0, %c0_i32_1 : i32, i32, i32, i32
  }
  func.func @transform_3(%arg0: i32) -> (i32, i32) {
    %c0_i32 = arith.constant 0 : i32
    %c0_i32_0 = arith.constant 0 : i32
    return %arg0, %c0_i32 : i32, i32
  }
  func.func @transform_4(%arg0: i32) -> (i32, i32) {
    %c0_i32 = arith.constant 0 : i32
    %c0_i32_0 = arith.constant 0 : i32
    return %arg0, %c0_i32 : i32, i32
  }
  func.func @transform_5(%arg0: i32) -> i32 {
    %c0_i32 = arith.constant 0 : i32
    %c0_i32_0 = arith.constant 0 : i32
    return %c0_i32 : i32
  }
}

module attributes {stable_mosaic.version = 14 : i64} {
  func.func @_combine_body(%arg0: i32, %arg1: memref<1xf32, #tpu.memory_space<smem>>, %arg2: memref<128x1024xf32, #tpu.memory_space<vmem>>, %arg3: memref<128x1024xf32, #tpu.memory_space<vmem>>, %arg4: memref<128x1024xi32, #tpu.memory_space<vmem>>) attributes {dimension_semantics = [#tpu.dimension_semantics<arbitrary>], iteration_bounds = array<i64: 8>, scalar_prefetch = 0 : i64, scratch_operands = 0 : i64, tpu.core_type = #tpu.core_type<tc>, window_params = [{transform_indices = @transform_0, window_bounds = array<i64: 1>}, {transform_indices = @transform_1, window_bounds = array<i64: 128, 1024>}, {transform_indices = @transform_2, window_bounds = array<i64: 128, 1024>}, {transform_indices = @transform_3, window_bounds = array<i64: 128, 1024>}]} {
    %get3A = arith.constant 0 : index
    %get3A_0 = memref.load %arg1[%get3A] : memref<1xf32, #tpu.memory_space<smem>>
    %get3A_1 = arith.constant 0 : index
    %get3A_2 = arith.constant 0 : index
    %get3A_3 = vector.load %arg2[%get3A_1, %get3A_2] : memref<128x1024xf32, #tpu.memory_space<vmem>>, vector<128x1024xf32>
    %mul3A = vector.broadcast %get3A_0 : f32 to vector<128x1024xf32>
    %mul3A_4 = arith.mulf %mul3A, %get3A_3 : vector<128x1024xf32>
    %sub3A = arith.constant 1.000000e+00 : f32
    %sub3A_5 = arith.subf %sub3A, %get3A_0 : f32
    %get3A_6 = arith.constant 0 : index
    %get3A_7 = arith.constant 0 : index
    %get3A_8 = vector.load %arg3[%get3A_6, %get3A_7] : memref<128x1024xf32, #tpu.memory_space<vmem>>, vector<128x1024xf32>
    %mul3A_9 = vector.broadcast %sub3A_5 : f32 to vector<128x1024xf32>
    %mul3A_10 = arith.mulf %mul3A_9, %get3A_8 : vector<128x1024xf32>
    %add3A = arith.addf %mul3A_4, %mul3A_10 : vector<128x1024xf32>
    %bitcast_convert_type3A = tpu.bitcast %add3A : vector<128x1024xf32> -> vector<128x1024xi32>
    %shift_right_arithmetic3A = arith.constant 31 : i32
    %shift_right_arithmetic3A_11 = vector.broadcast %shift_right_arithmetic3A : i32 to vector<128x1024xi32>
    %shift_right_arithmetic3A_12 = arith.shrsi %bitcast_convert_type3A, %shift_right_arithmetic3A_11 : vector<128x1024xi32>
    %and3A = arith.constant 2147483647 : i32
    %and3A_13 = vector.broadcast %and3A : i32 to vector<128x1024xi32>
    %and3A_14 = arith.andi %shift_right_arithmetic3A_12, %and3A_13 : vector<128x1024xi32>
    %xor3A = arith.xori %bitcast_convert_type3A, %and3A_14 : vector<128x1024xi32>
    %swap3A = arith.constant 0 : index
    %swap3A_15 = arith.constant 0 : index
    %swap3A_16 = vector.load %arg4[%swap3A, %swap3A_15] : memref<128x1024xi32, #tpu.memory_space<vmem>>, vector<128x1024xi32>
    tpu.vector_store %arg4[%swap3A, %swap3A_15], %xor3A {strides = array<i32>} : memref<128x1024xi32, #tpu.memory_space<vmem>>, vector<128x1024xi32>,
    return
  }
  func.func @transform_0(%arg0: i32) -> i32 {
    %c0_i32 = arith.constant 0 : i32
    %c0_i32_0 = arith.constant 0 : i32
    return %c0_i32 : i32
  }
  func.func @transform_1(%arg0: i32) -> (i32, i32) {
    %c0_i32 = arith.constant 0 : i32
    %c0_i32_0 = arith.constant 0 : i32
    return %arg0, %c0_i32 : i32, i32
  }
  func.func @transform_2(%arg0: i32) -> (i32, i32) {
    %c0_i32 = arith.constant 0 : i32
    %c0_i32_0 = arith.constant 0 : i32
    return %arg0, %c0_i32 : i32, i32
  }
  func.func @transform_3(%arg0: i32) -> (i32, i32) {
    %c0_i32 = arith.constant 0 : i32
    %c0_i32_0 = arith.constant 0 : i32
    return %arg0, %c0_i32 : i32, i32
  }
}

</mosaic_0001>

<sc_bundles>
// kernel: kernel.6.cloned.1.call-start
scs
__scs_entry_jumppad:
0x0: {  	(pc) =	sbr.rel $0x88, $3  }
0x1: {  	(tag) =	ssettag $0x0;
	lr =	simm.s32 $0x1  }
0x2: {  	[smem:$0x3F9D] =	sst lr;
	_ =	strace $0xD0000000  }
0x3: {  	_ = 	snop  }
0x4: {  	_ = 	snop  }
0x5: {  	_ = 	snop  }
0x6: {  	_ = 	snop  }
0x7: {  	_ = 	snop  }
__scs_overlays_trampoline_lowered:
0x8: {  	[smem:$0x3FAC] =	sst s0  }
0x9: {  	[smem:$0x3FAD] =	sst s1  }
0xa: {  	[smem:$0x3FAE] =	sst s2  }
0xb: {  	[smem:$0x3FAF] =	sst s3  }
0xc: {  	[smem:$0x3FB0] =	sst s4  }
0xd: {  	[smem:$0x3FB1] =	sst s5  }
0xe: {  	[smem:$0x3FB2] =	sst s6  }
0xf: {  	[smem:$0x3FB3] =	sst s7  }
0x10: {  	[smem:$0x3FB4] =	sst s8  }
0x11: {  	[smem:$0x3FB5] =	sst s9;
	s0 =	simm.s32 @!p0 $0x0  }
0x12: {  	s1 =	sld [smem:$0x3F9B];
	s0 =	simm.s32 @p0 $0x1  }
0x13: {  	[smem:$0x3FB6] =	sst s0;
	s0 =	simm.s32 @!p1 $0x0  }
0x14: {  	s2 =	sld [smem:$0x3F9A];
	s0 =	simm.s32 @p1 $0x1  }
0x15: {  	[smem:$0x3FB7] =	sst s0;
	s0 =	simm.s32 @!p2 $0x0  }
0x16: {  	s3 =	sld [smem:$0x3FDB];
	s0 =	simm.s32 @p2 $0x1  }
0x17: {  	s4 =	simm.s32 $0x1BF5;
	[smem:$0x3FB9] =	sst s0  }
0x18: {  	s0 =	sld [smem:$0x3F9C];
	_ =	swait.ge [sflag:s4], $0x0  }
0x19: {  	s7 =	sld [smem:$0x3F9D]  }
0x1a: {  	s8 =	sadd.s32 $0xFFFFE003, lr  }
0x1b: {  	s9 =	sadd.s32 $0xFFFFFEF7, lr;
	s5 =	simm.s32 $0xFFFFFFFF;
	p2 =	slt.u32 s8, $0xFFFFF086  }
0x1c: {  	p1 =	slt.u32 s9, $0xF7A;
	s5 =	simm.s32 @!p2 $0x0  }
0x1d: {  	s5 =	simm.s32 @p1 $0x1;
	p0 =	seq.s32 s7, s2  }
0x1e: {  	s7 =	smul.u32 @!p0 $0xF7A, s2;
	p2 =	seq.s32 @!p0 s5, $0x0  }
0x1f: {  	s9 =	smul.u32 $0xF7A, s1;
	s8 =	simm.s32 @!p0 $0x1BF5;
	p2 =	por !p2, p0  }
0x20: {  	[sflag:s8] =	ssyncset.s32 @!p0 $0xFFFFF086;
	s6 =	sadd.s32 @!p0 s3, s7;
	s7 =	simm.s32 @!p0 $0x108  }
0x21: {  	s3 =	sadd.s32 s3, s9;
	s6 =	sadd.s32 @!p0 $0x88, s6;
	s7 =	simm.s32 @p2 $0x1082  }
0x22: {  	[simem:s7], [sflag:s8] =	dma.local @!p0 [hbm:s6], $0xF7A  }
0x23: {  	s9 =	sor.u32 $0xD0000000, s2;
	s6 =	simm.s32 $0x108;
	_ =	swait.ge @!p0 [sflag:s8], $0x0  }
0x24: {  	s3 =	sadd.s32 $0x88, s3;
	s6 =	simm.s32 @!p1 $0x1082;
	[sflag:s4] =	ssyncset.s32 $0xFFFFF086  }
0x25: {  	[simem:s6], [sflag:s4] =	dma.local [hbm:s3], $0xF7A  }
0x26: {  	[smem:$0x3F9D] =	sst s1;
	(tag) =	ssettag s2;
	_ =	strace s9  }
0x27: {  	s1 =	sld [smem:$0x3FAD]  }
0x28: {  	s2 =	sld [smem:$0x3FAE]  }
0x29: {  	s4 =	sld [smem:$0x3FB0]  }
0x2a: {  	p0 =	seq.s32 s5, $0x0;
	s5 =	sld [smem:$0x3FB1]  }
0x2b: {  	s6 =	sld [smem:$0x3FB2]  }
0x2c: {  	s7 =	sld [smem:$0x3FB3]  }
0x2d: {  	s3 =	simm.s32 $0x108;
	s8 =	sld [smem:$0x3FB4]  }
0x2e: {  	s3 =	simm.s32 @!p0 $0x1082;
	s9 =	sld [smem:$0x3FB5]  }
0x2f: {  	lr =	sadd.s32 s0, s3;
	s0 =	sld [smem:$0x3FAC]  }
0x30: {  	s3 =	sld [smem:$0x3FAF]  }
0x31: {  	[smem:$0x3FB8] =	sst s10  }
0x32: {  	s10 =	sld [smem:$0x3FB6];
	_ =	sdelay $0x3  }
0x33: {  	p0 =	seq.s32 s10, $0x1;
	s10 =	sld [smem:$0x3FB8];
	_ =	sdelay $0x3  }
0x34: {  	[smem:$0x3FB8] =	sst s10  }
0x35: {  	s10 =	sld [smem:$0x3FB7];
	_ =	sdelay $0x3  }
0x36: {  	p1 =	seq.s32 s10, $0x1;
	s10 =	sld [smem:$0x3FB8];
	_ =	sdelay $0x3  }
0x37: {  	[smem:$0x3FB8] =	sst s10  }
0x38: {  	s10 =	sld [smem:$0x3FB9]  }
0x39: {  	_ = 	snop;
	(pc) =	sbr.ind lr, $3  }
0x3a: {  	_ = 	snop  }
0x3b: {  	_ = 	snop  }
0x3c: {  	p2 =	seq.s32 s10, $0x1;
	s10 =	sld [smem:$0x3FB8]  }
0x3d: {  	_ =	shalt  }
0x3e: {  	_ =	shalt  }
0x3f: {  	_ =	shalt  }
0x40: {  	_ =	shalt  }
0x41: {  	_ =	shalt  }
0x42: {  	_ =	shalt  }
0x43: {  	_ =	shalt  }
0x44: {  	_ =	shalt  }
0x45: {  	_ =	shalt  }
0x46: {  	_ =	shalt  }
0x47: {  	_ =	shalt  }
0x48: {  	_ =	shalt  }
0x49: {  	_ =	shalt  }
0x4a: {  	_ =	shalt  }
0x4b: {  	_ =	shalt  }
0x4c: {  	_ =	shalt  }
0x4d: {  	_ =	shalt  }
0x4e: {  	_ =	shalt  }
0x4f: {  	_ =	shalt  }
0x50: {  	_ =	shalt  }
0x51: {  	_ =	shalt  }
0x52: {  	_ =	shalt  }
0x53: {  	_ =	shalt  }
0x54: {  	_ =	shalt  }
0x55: {  	_ =	shalt  }
0x56: {  	_ =	shalt  }
0x57: {  	_ =	shalt  }
0x58: {  	_ =	shalt  }
0x59: {  	_ =	shalt  }
0x5a: {  	_ =	shalt  }
0x5b: {  	_ =	shalt  }
0x5c: {  	_ =	shalt  }
0x5d: {  	_ =	shalt  }
0x5e: {  	_ =	shalt  }
0x5f: {  	_ =	shalt  }
0x60: {  	_ =	shalt  }
0x61: {  	_ =	shalt  }
0x62: {  	_ =	shalt  }
0x63: {  	_ =	shalt  }
0x64: {  	_ =	shalt  }
0x65: {  	_ =	shalt  }
0x66: {  	_ =	shalt  }
0x67: {  	_ =	shalt  }
0x68: {  	_ =	shalt  }
0x69: {  	_ =	shalt  }
0x6a: {  	_ =	shalt  }
0x6b: {  	_ =	shalt  }
0x6c: {  	_ =	shalt  }
0x6d: {  	_ =	shalt  }
0x6e: {  	_ =	shalt  }
0x6f: {  	_ =	shalt  }
0x70: {  	_ =	shalt  }
0x71: {  	_ =	shalt  }
0x72: {  	_ =	shalt  }
0x73: {  	_ =	shalt  }
0x74: {  	_ =	shalt  }
0x75: {  	_ =	shalt  }
0x76: {  	_ =	shalt  }
0x77: {  	_ =	shalt  }
0x78: {  	_ =	shalt  }
0x79: {  	_ =	shalt  }
0x7a: {  	_ =	shalt  }
0x7b: {  	_ =	shalt  }
0x7c: {  	_ =	shalt  }
0x7d: {  	_ =	shalt  }
0x7e: {  	_ =	shalt  }
0x7f: {  	_ =	shalt  }
0x80: {  	_ =	shalt  }
0x81: {  	_ =	shalt  }
0x82: {  	_ =	shalt  }
0x83: {  	_ =	shalt  }
0x84: {  	_ =	shalt  }
0x85: {  	_ =	shalt  }
0x86: {  	_ =	shalt  }
0x87: {  	_ =	shalt  }
.Lfunc_end0:
.L_simem_size_0:
called_computation_lowered:
.L_overlay_start_0:
0x88: {  	s2 =	sld [smem:$0x3FD9]  }
0x89: {  	s3 =	sld [smem:$0x3FFE];
	_ =	sdelay $0x1  }
0x8a: {  	s1 =	srdreg.scid  }
0x8b: {  	s0 =	sand.u32 $0x1, s1  }
0x8c: {  	s14 =	sshll.u32 s0, $0xA;
	s2 =	sadd.s32 s3, s2  }
0x8d: {  	s2 =	sadd.s32 s2, s14  }
0x8e: {  	[smem:$0x3FC4] =	sst s2  }
0x8f: {  	_ = 	snop  }
0x90: {  	s2 =	sld [smem:$0x3FD0];
	_ =	sdelay $0x2  }
0x91: {  	s15 =	simm.s32 $0xA;
	s4 =	simm.s32 $0x10  }
0x92: {  	[smem:s4], [sflag:s15] =	dma.local [hbm:s2], $0x1  }
0x93: {  	_ =	swait.eq [sflag:s15], $0x1  }
0x94: {  	[sflag:s15] =	ssyncset.done $0x0  }
0x95: {  	[sflag:s15] =	ssyncadd.s32 $0xFFFFFFFF  }
0x96: {  	s16 =	sld [smem:$0x11];
	(tm) =	ssettm $0x1  }
0x97: {  	s17 =	sld [smem:$0x3FFB];
	_ =	sdelay $0x3  }
0x98: {  	_ =	strace s17  }
0x99: {  	s3 =	sld [smem:$0x3FFC];
	_ =	sdelay $0x3  }
0x9a: {  	_ =	strace s3  }
0x9b: {  	s3 =	sld [smem:$0x3FFD];
	_ =	sdelay $0x3  }
0x9c: {  	_ =	strace s3  }
0x9d: {  	_ =	strace $0x8FFFFFFF  }
0x9e: {  	s18 =	sld [smem:$0x3FDB];
	_ =	sdelay $0x1  }
0x9f: {  	s19 =	simm.s32 $_scs_section_size  }
0xa0: {  	s5 =	simm.s32 $_size__tile_overlayer_lowered;
	s6 =	simm.s32 $_tile_overlayer_lowered  }
0xa1: {  	s22 =	simm.s32 $0x1BFF;
	s21 =	sshll.u32 s6, $0x1;
	s3 =	sadd.s32 s19, s18  }
0xa2: {  	s7 =	simm.s32 $0x0;
	s20 =	sshll.u32 s5, $0x1;
	s5 =	sadd.s32 s21, s3  }
0xa3: {  	[timem:s7], [sflag:s22] =	dma.local [hbm:s5], s20  }
0xa4: {  	_ =	swait.ge [sflag:s22], s20  }
0xa5: {  	s4 =	ssub.s32 $0x0, s20;
	[sflag:s22] =	ssyncset.done $0x0  }
0xa6: {  	[sflag:s22] =	ssyncadd.s32 s4;
	_ =	sdelay $0x1  }
0xa7: {  	s23 =	simm.s32 $0x1B8B  }
0xa8: {  	_ =	swait.ge [sflag:s23], $0x1  }
0xa9: {  	[sflag:s23] =	ssyncset.done $0x0  }
0xaa: {  	s25 =	simm.s32 $0x1B8E;
	s24 =	sld [smem:$0x3FFE];
	[sflag:s23] =	ssyncadd.s32 $0xFFFFFFFF  }
0xab: {  	s26 =	simm.s32 $execute0_lowered;
	[smem:$0x3FD2] =	sst s25  }
0xac: {  	s5 =	sshll.u32 s26, $0x1;
	_ =	strace $0x80000046;
	[dreg:$0x1] =	wrdreg $0xFFFFFFFF  }
0xad: {  	s28 =	simm.s32 $_size_execute0_lowered;
	s3 =	sadd.s32 s3, s5;
	[dreg:$0x0] =	wrdreg $0x0  }
0xae: {  	s5 =	sshll.u32 s28, $0x1;
	[dreg:$0x2] =	wrdreg s3  }
0xaf: {  	[dreg:$0x3] =	wrdreg s5  }
0xb0: {  	[dreg:$0x4] =	wrdreg $0xC0  }
0xb1: {  	_ =	task [dreg:s7], $0x5FFFF  }
0xb2: {  	[dreg:$0x1] =	wrdreg $0xFFFFFFFF  }
0xb3: {  	[dreg:$0x0] =	wrdreg $0x60  }
0xb4: {  	[dreg:$0x2] =	wrdreg s24  }
0xb5: {  	[dreg:$0x3] =	wrdreg s16  }
0xb6: {  	[dreg:$0x4] =	wrdreg $0x9  }
0xb7: {  	_ =	task.clear_ibuf [dreg:s7], $0x5FFFF;
	_ =	strace $0x90000046  }
0xb8: {  	s29 =	simm.s32 $0x9;
	_ =	strace $0x80000048  }
0xb9: {  	_ =	swait.ge [sflag:s29], $0x1  }
0xba: {  	[sflag:s29] =	ssyncadd.s32 $0xFFFFFFFF  }
0xbb: {  	_ =	strace $0x90000048  }
0xbc: {  	_ =	sfence  }
0xbd: {  	s30 =	sld [smem:$0x0];
	_ =	sdelay $0x2  }
0xbe: {  	s31 =	sshll.u32 s1, $0xD;
	s1 =	sshrl.u32 s1, $0x2  }
0xbf: {  	s3 =	sand.u32 $0x4000, s31;
	s1 =	sadd.s32 s1, s30  }
0xc0: {  	s0 =	sor.u32 s3, s0;
	s1 =	sshll.u32 s1, $0x11  }
0xc1: {  	s0 =	sor.u32 s1, s0  }
0xc2: {  	s0 =	sadd.s32 $0x8F2B, s0  }
0xc3: {  	[sflag:s0] =	ssyncadd.remote.s32 $0x1  }
0xc4: {  	_ =	sfence.sel $0xFFFF  }
0xc5: {  	[dreg:$0x0] =	wrdreg $0xFFFFFFFF;
	(pc) =	sbr.abs _section_cstart, $3  }
0xc6: {  	[dreg:$0x1] =	wrdreg $0xFFFFFFFF  }
0xc7: {  	_ =	task.clear_ibuf [dreg:s7], $0x2FFFF;
	_ =	strace $0x9FFFFFFF  }
0xc8: {  	(tm) =	ssettm $0x7FFFFFFF  }
0xc9: {  	_ =	shalt  }
tec
execute0_lowered:
.L_overlay_start_1:
0x0: {  	(tag) =	ssettag $0x1  }
0x1: {  	s4 =	rddreg [dreg:$0x0]  }
0x2: {  	s2 =	rddreg [dreg:$0x1]  }
0x3: {  	s0 =	rddreg [dreg:$0x2]  }
0x4: {  	s5 =	srdreg.scid;
	s1 =	stileid.u32  }
0x5: {  	s3 =	simm.s32 $0x0;
	s9 =	simm.s32 $0x400;
	s10 =	simm.s32 $0x1  }
0x6: {  	s11 =	simm.s32 $0x8000;
	s12 =	simm.s32 $0x8080;
	s13 =	simm.s32 $0x9080  }
0x7: {  	s14 =	simm.s32 $0x0;
	s5 =	sand.u32 $0x1, s5;
	s6 =	sshll.u32 s1, $0x8  }
0x8: {  	s7 =	sshrl.u32 s1, $0x2;
	s8 =	sshll.u32 s5, $0x7;
	s6 =	sand.u32 $0x300, s6  }
0x9: {  	[smem:$0x7FF] =	sst s3;
	s29 =	sshll.u32 s7, $0xF;
	s6 =	sor.u32 s8, s6  }
0xa: {  	_ =	strace $0x80000047;
	s7 =	sshll.u32 s7, $0x12;
	s8 =	sor.u32 s29, s6  }
0xb: {  	s5 =	ssub.s32 $0x2, s5;
	s6 =	sor.u32 s7, s6;
	s8 =	sshrl.u32 s8, $0x3  }
0xc: {  	s31 =	sshrl.u32 s5, $0x1;
	s6 =	sshrl.u32 s6, $0x3;
	s30 =	sadd.s32 s8, s4  }
0xd: {  	s8 =	ssub.s32 s5, s31;
	s4 =	sadd.s32 s4, s6;
	s5 =	sadd.s32 $0x20000, s30  }
0xe: {  	v0 =	vimm.s32 $0x0;
	v1 =	vimm.f32 $0.0e+00;
	v2 =	vimm.s32 $0x1;
	s6 =	sadd.s32 $0x24000, s30;
	s7 =	smax.u32 s8, $0x1;
	s8 =	simm.s32 $0x80  }
.LBB2_1:
0xf: {  	[tilespmem:s3], [sflag:$0x1] =	stream.strided.gather [hbm4b:s4+s8], $0x8000, s9, s8, $0x38;
	[tilespmem:$0xA080] =	vst v63  }
0x10: {  	_ =	swait.ge [sflag:s10], $0x8000  }
0x11: {  	[sflag:s10] =	ssyncset.done $0x0  }
0x12: {  	[sflag:s10] =	ssyncadd.s32 $0xFFFF8000  }
0x13: {  	[tilespmem:s11], [sflag:$0x1] =	stream.linear.gather [hbm4b:s2+s3], $0x80, $0x38;
	[tilespmem:$0xA080] =	vst v63  }
0x14: {  	_ =	swait.ge [sflag:s10], $0x80  }
0x15: {  	[sflag:s10] =	ssyncset.done $0x0  }
0x16: {  	s15 =	simm.s32 $0x0;
	[sflag:s10] =	ssyncadd.s32 $0xFFFFFF80  }
.LBB2_2:
0x17: {  	p0 =	sne.s32 s15, $0x3FC0  }
.Ltmp0:
0x18: {  	_ = 	snop;
	(pc) =	sbr.rel @p0 .LBB2_2-.Ltmp0, $4  }
0x19: {  	_ = 	snop  }
0x1a: {  	s16 =	sshra.s32 s15, $0x2  }
0x1b: {  	[tilespmem:s16+$0x8080] =	vst v0  }
0x1c: {  	s15 =	sadd.s32 $0x40, s15;
	[tilespmem:s16+$0x9080] =	vst v1  }
0x1d: {  	s15 =	simm.s32 $0x0  }
0x1e: {  	v4 =	vld [tilespmem:s15+$0x0];
	_ =	sdelay $0x4  }
0x1f: {  	v3 =	vshra.s32 v4, $0x14  }
0x20: {  	v3 =	vadd.s32 $0x800, v3;
	_ =	sdelay $0x2  }
0x21: {  	v5 =	vshra.s32 v4, $0x1F  }
0x22: {  	v5 =	vand.u32 $0x7FFFFFFF, v5  }
0x23: {  	s16 =	simm.s32 $0x80;
	s15 =	simm.s32 $0x40;
	v4 =	vxor.u32 v4, v5;
	[tilespmem:v3+s12+$0x0] =	vst.idx.add.s32.msk $0xffff, v2  }
.LBB2_4:
0x24: {  	p0 =	sne.s32 s16, $0x1FFC0  }
0x25: {  	s17 =	sshra.s32 s15, $0x2;
	[tilespmem:v3+s13+$0x0] =	vst.idx.add.f32.msk $0xffff, v4;
	s15 =	smov.u32 s16;
	s16 =	sadd.s32 $0x40, s16  }
0x26: {  	v4 =	vld [tilespmem:s17+$0x0];
	_ =	sdelay $0x4  }
0x27: {  	v3 =	vshra.s32 v4, $0x1F;
	v5 =	vshra.s32 v4, $0x14  }
0x28: {  	v6 =	vand.u32 $0x7FFFFFFF, v3;
	v3 =	vadd.s32 $0x800, v5  }
.Ltmp1:
0x29: {  	v4 =	vxor.u32 v4, v6;
	(pc) =	sbr.rel @p0 .LBB2_4-.Ltmp1, $2  }
0x2a: {  	_ =	sdelay $0x2  }
0x2b: {  	[tilespmem:v3+s12+$0x0] =	vst.idx.add.s32.msk $0xffff, v2  }
0x2c: {  	_ =	sdelay $0x3  }
0x2d: {  	s15 =	sshra.s32 s15, $0x2;
	[tilespmem:v3+s13+$0x0] =	vst.idx.add.f32.msk $0xffff, v4  }
0x2e: {  	v3 =	vld [tilespmem:s15+$0x0];
	_ =	sdelay $0x4  }
0x2f: {  	v63 =	vshra.s32 v3, $0x14  }
0x30: {  	v4 =	vadd.s32 $0x800, v63;
	_ =	sdelay $0x2  }
0x31: {  	v5 =	vshra.s32 v3, $0x1F  }
0x32: {  	v5 =	vand.u32 $0x7FFFFFFF, v5  }
0x33: {  	v3 =	vxor.u32 v3, v5;
	[tilespmem:v4+s12+$0x0] =	vst.idx.add.s32.msk $0xffff, v2  }
0x34: {  	[tilespmem:v4+s13+$0x0] =	vst.idx.add.f32.msk $0xffff, v3  }
0x35: {  	[hbm4b:s5+s8] =	stream.strided.scatter [tilespmem:s12], [sflag:$0x1], $0x1000, s9, s8, $0x38;
	[tilespmem:$0xA080] =	vst v63  }
0x36: {  	s14 =	sadd.s32 $0x1, s14;
	_ =	swait.ge [sflag:s10], $0x1000  }
0x37: {  	p0 =	sne.s32 s14, s7;
	[sflag:s10] =	ssyncset.done $0x0  }
.Ltmp2:
0x38: {  	[sflag:s10] =	ssyncadd.s32 $0xFFFFF000;
	(pc) =	sbr.rel @p0 .LBB2_1-.Ltmp2, $4  }
0x39: {  	[hbm4b:s6+s8] =	stream.strided.scatter [tilespmem:s13], [sflag:$0x1], $0x1000, s9, s8, $0x38;
	[tilespmem:$0xA080] =	vst v63  }
0x3a: {  	_ =	swait.ge [sflag:s10], $0x1000  }
0x3b: {  	[sflag:s10] =	ssyncset.done $0x0  }
0x3c: {  	[sflag:s10] =	ssyncadd.s32 $0xFFFFF000  }
0x3d: {  	_ =	sfence.sel $0x180000  }
0x3e: {  	[bflag:$0x0] =	sbarrier.arrive $0xFFFF  }
0x3f: {  	p0 =	sne.s32 s1, $0x0;
	_ =	strace $0x90000047  }
0x40: {  	s0 =	sadd.s32 @!p0 $0x100000, s0;
	[bflag:$0x2] =	sbarrier.arrive $0xFFFF  }
0x41: {  	[sflag:s0] =	ssyncadd.tile.s32 @!p0 $0x1;
	_ =	shalt  }
.Lfunc_end2:
_tile_overlayer_lowered:
.L_overlay_start_2:
0x42: {  	(tag) =	ssettag $0x2  }
0x43: {  	s0 =	rddreg [dreg:$0x0];
	s2 =	stileid.u32  }
0x44: {  	s1 =	rddreg [dreg:$0x1];
	p0 =	sne.s32 s2, $0x0  }
0x45: {  	s3 =	rddreg [dreg:$0x2];
	[bflag:$0x3] =	sbarrier.arrive $0xFFFF;
	s2 =	simm.s32 @!p0 $0x1C01  }
0x46: {  	[timem:s3], [sflag:s2] =	dma.local @!p0 [hbm:s0], s1  }
0x47: {  	s0 =	simm.s32 @!p0 $0x1  }
0x48: {  	_ =	swait.ge @!p0 [sflag:s0], s1  }
0x49: {  	s1 =	ssub.s32 @!p0 $0x0, s1;
	[sflag:s0] =	ssyncset.done @!p0 $0x0  }
0x4a: {  	[sflag:s0] =	ssyncadd.s32 @!p0 s1  }
0x4b: {  	[bflag:$0x3] =	sbarrier.arrive $0xFFFF  }
0x4c: {  	_ =	shalt  }

// kernel: kernel.9.cloned.1.call-start
scs
__scs_entry_jumppad:
0x0: {  	(pc) =	sbr.rel $0x88, $3  }
0x1: {  	(tag) =	ssettag $0x0;
	lr =	simm.s32 $0x1  }
0x2: {  	[smem:$0x3F9D] =	sst lr;
	_ =	strace $0xD0000000  }
0x3: {  	_ = 	snop  }
0x4: {  	_ = 	snop  }
0x5: {  	_ = 	snop  }
0x6: {  	_ = 	snop  }
0x7: {  	_ = 	snop  }
__scs_overlays_trampoline_lowered:
0x8: {  	[smem:$0x3FAC] =	sst s0  }
0x9: {  	[smem:$0x3FAD] =	sst s1  }
0xa: {  	[smem:$0x3FAE] =	sst s2  }
0xb: {  	[smem:$0x3FAF] =	sst s3  }
0xc: {  	[smem:$0x3FB0] =	sst s4  }
0xd: {  	[smem:$0x3FB1] =	sst s5  }
0xe: {  	[smem:$0x3FB2] =	sst s6  }
0xf: {  	[smem:$0x3FB3] =	sst s7  }
0x10: {  	[smem:$0x3FB4] =	sst s8  }
0x11: {  	[smem:$0x3FB5] =	sst s9;
	s0 =	simm.s32 @!p0 $0x0  }
0x12: {  	s1 =	sld [smem:$0x3F9B];
	s0 =	simm.s32 @p0 $0x1  }
0x13: {  	[smem:$0x3FB6] =	sst s0;
	s0 =	simm.s32 @!p1 $0x0  }
0x14: {  	s2 =	sld [smem:$0x3F9A];
	s0 =	simm.s32 @p1 $0x1  }
0x15: {  	[smem:$0x3FB7] =	sst s0;
	s0 =	simm.s32 @!p2 $0x0  }
0x16: {  	s3 =	sld [smem:$0x3FDB];
	s0 =	simm.s32 @p2 $0x1  }
0x17: {  	s4 =	simm.s32 $0x1BF5;
	[smem:$0x3FB9] =	sst s0  }
0x18: {  	s0 =	sld [smem:$0x3F9C];
	_ =	swait.ge [sflag:s4], $0x0  }
0x19: {  	s7 =	sld [smem:$0x3F9D]  }
0x1a: {  	s8 =	sadd.s32 $0xFFFFE003, lr  }
0x1b: {  	s9 =	sadd.s32 $0xFFFFFEF7, lr;
	s5 =	simm.s32 $0xFFFFFFFF;
	p2 =	slt.u32 s8, $0xFFFFF086  }
0x1c: {  	p1 =	slt.u32 s9, $0xF7A;
	s5 =	simm.s32 @!p2 $0x0  }
0x1d: {  	s5 =	simm.s32 @p1 $0x1;
	p0 =	seq.s32 s7, s2  }
0x1e: {  	s7 =	smul.u32 @!p0 $0xF7A, s2;
	p2 =	seq.s32 @!p0 s5, $0x0  }
0x1f: {  	s9 =	smul.u32 $0xF7A, s1;
	s8 =	simm.s32 @!p0 $0x1BF5;
	p2 =	por !p2, p0  }
0x20: {  	[sflag:s8] =	ssyncset.s32 @!p0 $0xFFFFF086;
	s6 =	sadd.s32 @!p0 s3, s7;
	s7 =	simm.s32 @!p0 $0x108  }
0x21: {  	s3 =	sadd.s32 s3, s9;
	s6 =	sadd.s32 @!p0 $0x88, s6;
	s7 =	simm.s32 @p2 $0x1082  }
0x22: {  	[simem:s7], [sflag:s8] =	dma.local @!p0 [hbm:s6], $0xF7A  }
0x23: {  	s9 =	sor.u32 $0xD0000000, s2;
	s6 =	simm.s32 $0x108;
	_ =	swait.ge @!p0 [sflag:s8], $0x0  }
0x24: {  	s3 =	sadd.s32 $0x88, s3;
	s6 =	simm.s32 @!p1 $0x1082;
	[sflag:s4] =	ssyncset.s32 $0xFFFFF086  }
0x25: {  	[simem:s6], [sflag:s4] =	dma.local [hbm:s3], $0xF7A  }
0x26: {  	[smem:$0x3F9D] =	sst s1;
	(tag) =	ssettag s2;
	_ =	strace s9  }
0x27: {  	s1 =	sld [smem:$0x3FAD]  }
0x28: {  	s2 =	sld [smem:$0x3FAE]  }
0x29: {  	s4 =	sld [smem:$0x3FB0]  }
0x2a: {  	p0 =	seq.s32 s5, $0x0;
	s5 =	sld [smem:$0x3FB1]  }
0x2b: {  	s6 =	sld [smem:$0x3FB2]  }
0x2c: {  	s7 =	sld [smem:$0x3FB3]  }
0x2d: {  	s3 =	simm.s32 $0x108;
	s8 =	sld [smem:$0x3FB4]  }
0x2e: {  	s3 =	simm.s32 @!p0 $0x1082;
	s9 =	sld [smem:$0x3FB5]  }
0x2f: {  	lr =	sadd.s32 s0, s3;
	s0 =	sld [smem:$0x3FAC]  }
0x30: {  	s3 =	sld [smem:$0x3FAF]  }
0x31: {  	[smem:$0x3FB8] =	sst s10  }
0x32: {  	s10 =	sld [smem:$0x3FB6];
	_ =	sdelay $0x3  }
0x33: {  	p0 =	seq.s32 s10, $0x1;
	s10 =	sld [smem:$0x3FB8];
	_ =	sdelay $0x3  }
0x34: {  	[smem:$0x3FB8] =	sst s10  }
0x35: {  	s10 =	sld [smem:$0x3FB7];
	_ =	sdelay $0x3  }
0x36: {  	p1 =	seq.s32 s10, $0x1;
	s10 =	sld [smem:$0x3FB8];
	_ =	sdelay $0x3  }
0x37: {  	[smem:$0x3FB8] =	sst s10  }
0x38: {  	s10 =	sld [smem:$0x3FB9]  }
0x39: {  	_ = 	snop;
	(pc) =	sbr.ind lr, $3  }
0x3a: {  	_ = 	snop  }
0x3b: {  	_ = 	snop  }
0x3c: {  	p2 =	seq.s32 s10, $0x1;
	s10 =	sld [smem:$0x3FB8]  }
0x3d: {  	_ =	shalt  }
0x3e: {  	_ =	shalt  }
0x3f: {  	_ =	shalt  }
0x40: {  	_ =	shalt  }
0x41: {  	_ =	shalt  }
0x42: {  	_ =	shalt  }
0x43: {  	_ =	shalt  }
0x44: {  	_ =	shalt  }
0x45: {  	_ =	shalt  }
0x46: {  	_ =	shalt  }
0x47: {  	_ =	shalt  }
0x48: {  	_ =	shalt  }
0x49: {  	_ =	shalt  }
0x4a: {  	_ =	shalt  }
0x4b: {  	_ =	shalt  }
0x4c: {  	_ =	shalt  }
0x4d: {  	_ =	shalt  }
0x4e: {  	_ =	shalt  }
0x4f: {  	_ =	shalt  }
0x50: {  	_ =	shalt  }
0x51: {  	_ =	shalt  }
0x52: {  	_ =	shalt  }
0x53: {  	_ =	shalt  }
0x54: {  	_ =	shalt  }
0x55: {  	_ =	shalt  }
0x56: {  	_ =	shalt  }
0x57: {  	_ =	shalt  }
0x58: {  	_ =	shalt  }
0x59: {  	_ =	shalt  }
0x5a: {  	_ =	shalt  }
0x5b: {  	_ =	shalt  }
0x5c: {  	_ =	shalt  }
0x5d: {  	_ =	shalt  }
0x5e: {  	_ =	shalt  }
0x5f: {  	_ =	shalt  }
0x60: {  	_ =	shalt  }
0x61: {  	_ =	shalt  }
0x62: {  	_ =	shalt  }
0x63: {  	_ =	shalt  }
0x64: {  	_ =	shalt  }
0x65: {  	_ =	shalt  }
0x66: {  	_ =	shalt  }
0x67: {  	_ =	shalt  }
0x68: {  	_ =	shalt  }
0x69: {  	_ =	shalt  }
0x6a: {  	_ =	shalt  }
0x6b: {  	_ =	shalt  }
0x6c: {  	_ =	shalt  }
0x6d: {  	_ =	shalt  }
0x6e: {  	_ =	shalt  }
0x6f: {  	_ =	shalt  }
0x70: {  	_ =	shalt  }
0x71: {  	_ =	shalt  }
0x72: {  	_ =	shalt  }
0x73: {  	_ =	shalt  }
0x74: {  	_ =	shalt  }
0x75: {  	_ =	shalt  }
0x76: {  	_ =	shalt  }
0x77: {  	_ =	shalt  }
0x78: {  	_ =	shalt  }
0x79: {  	_ =	shalt  }
0x7a: {  	_ =	shalt  }
0x7b: {  	_ =	shalt  }
0x7c: {  	_ =	shalt  }
0x7d: {  	_ =	shalt  }
0x7e: {  	_ =	shalt  }
0x7f: {  	_ =	shalt  }
0x80: {  	_ =	shalt  }
0x81: {  	_ =	shalt  }
0x82: {  	_ =	shalt  }
0x83: {  	_ =	shalt  }
0x84: {  	_ =	shalt  }
0x85: {  	_ =	shalt  }
0x86: {  	_ =	shalt  }
0x87: {  	_ =	shalt  }
.Lfunc_end0:
.L_simem_size_0:
called_computation.1_lowered:
.L_overlay_start_0:
0x88: {  	s2 =	sld [smem:$0x3FD9]  }
0x89: {  	s3 =	sld [smem:$0x3FFE];
	_ =	sdelay $0x1  }
0x8a: {  	s1 =	srdreg.scid  }
0x8b: {  	s0 =	sand.u32 $0x1, s1  }
0x8c: {  	s16 =	sshll.u32 s0, $0xA;
	s2 =	sadd.s32 s3, s2  }
0x8d: {  	s2 =	sadd.s32 s2, s16  }
0x8e: {  	[smem:$0x3FC4] =	sst s2  }
0x8f: {  	_ = 	snop  }
0x90: {  	(tm) =	ssettm $0x1  }
0x91: {  	s17 =	sld [smem:$0x3FFB];
	_ =	sdelay $0x3  }
0x92: {  	_ =	strace s17  }
0x93: {  	s2 =	sld [smem:$0x3FFC];
	_ =	sdelay $0x3  }
0x94: {  	_ =	strace s2  }
0x95: {  	s2 =	sld [smem:$0x3FFD];
	_ =	sdelay $0x3  }
0x96: {  	_ =	strace s2  }
0x97: {  	_ =	strace $0x8FFFFFFF  }
0x98: {  	s18 =	sld [smem:$0x3FDB];
	_ =	sdelay $0x1  }
0x99: {  	s19 =	simm.s32 $_scs_section_size  }
0x9a: {  	s4 =	simm.s32 $_size__tile_overlayer_lowered;
	s5 =	simm.s32 $_tile_overlayer_lowered  }
0x9b: {  	s22 =	simm.s32 $0x1BFF;
	s21 =	sshll.u32 s5, $0x1;
	s2 =	sadd.s32 s19, s18  }
0x9c: {  	s6 =	simm.s32 $0x0;
	s20 =	sshll.u32 s4, $0x1;
	s4 =	sadd.s32 s21, s2  }
0x9d: {  	[timem:s6], [sflag:s22] =	dma.local [hbm:s4], s20  }
0x9e: {  	_ =	swait.ge [sflag:s22], s20  }
0x9f: {  	s3 =	ssub.s32 $0x0, s20;
	[sflag:s22] =	ssyncset.done $0x0  }
0xa0: {  	[sflag:s22] =	ssyncadd.s32 s3;
	_ =	sdelay $0x1  }
0xa1: {  	s23 =	simm.s32 $0x1B8B  }
0xa2: {  	_ =	swait.ge [sflag:s23], $0x1  }
0xa3: {  	[sflag:s23] =	ssyncset.done $0x0  }
0xa4: {  	s25 =	simm.s32 $0x1B8E;
	s24 =	sld [smem:$0x3FFE];
	[sflag:s23] =	ssyncadd.s32 $0xFFFFFFFF  }
0xa5: {  	s26 =	simm.s32 $execute0_lowered;
	[smem:$0x3FD2] =	sst s25  }
0xa6: {  	s4 =	sshll.u32 s26, $0x1;
	_ =	strace $0x80000049;
	[dreg:$0x1] =	wrdreg $0xFFFFFFFF  }
0xa7: {  	s28 =	simm.s32 $_size_execute0_lowered;
	s2 =	sadd.s32 s2, s4;
	[dreg:$0x0] =	wrdreg $0x0  }
0xa8: {  	s4 =	sshll.u32 s28, $0x1;
	[dreg:$0x2] =	wrdreg s2  }
0xa9: {  	[dreg:$0x3] =	wrdreg s4  }
0xaa: {  	[dreg:$0x4] =	wrdreg $0xC0  }
0xab: {  	_ =	task [dreg:s6], $0x5FFFF  }
0xac: {  	[dreg:$0x1] =	wrdreg $0xFFFFFFFF  }
0xad: {  	[dreg:$0x0] =	wrdreg $0x60  }
0xae: {  	[dreg:$0x2] =	wrdreg s24  }
0xaf: {  	[dreg:$0x3] =	wrdreg $0x9  }
0xb0: {  	_ =	task.clear_ibuf [dreg:s6], $0x4FFFF;
	_ =	strace $0x90000049  }
0xb1: {  	s29 =	simm.s32 $0x9;
	_ =	strace $0x8000004B  }
0xb2: {  	_ =	swait.ge [sflag:s29], $0x1  }
0xb3: {  	[sflag:s29] =	ssyncadd.s32 $0xFFFFFFFF  }
0xb4: {  	_ =	strace $0x9000004B  }
0xb5: {  	_ =	sfence  }
0xb6: {  	s30 =	sld [smem:$0x0];
	_ =	sdelay $0x2  }
0xb7: {  	s31 =	sshll.u32 s1, $0xD;
	s1 =	sshrl.u32 s1, $0x2  }
0xb8: {  	s3 =	sand.u32 $0x4000, s31;
	s1 =	sadd.s32 s1, s30  }
0xb9: {  	s0 =	sor.u32 s3, s0;
	s1 =	sshll.u32 s1, $0x11  }
0xba: {  	s0 =	sor.u32 s1, s0  }
0xbb: {  	s0 =	sadd.s32 $0x8F2B, s0  }
0xbc: {  	[sflag:s0] =	ssyncadd.remote.s32 $0x1  }
0xbd: {  	_ =	sfence.sel $0xFFFF  }
0xbe: {  	[dreg:$0x0] =	wrdreg $0xFFFFFFFF;
	(pc) =	sbr.abs _section_cstart, $3  }
0xbf: {  	[dreg:$0x1] =	wrdreg $0xFFFFFFFF  }
0xc0: {  	_ =	task.clear_ibuf [dreg:s6], $0x2FFFF;
	_ =	strace $0x9FFFFFFF  }
0xc1: {  	(tm) =	ssettm $0x7FFFFFFF  }
tec
execute0_lowered:
.L_overlay_start_1:
0x0: {  	(tag) =	ssettag $0x1  }
0x1: {  	s4 =	rddreg [dreg:$0x0]  }
0x2: {  	s0 =	rddreg [dreg:$0x1]  }
0x3: {  	s2 =	simm.s32 $0x0;
	s3 =	srdreg.scid;
	s1 =	stileid.u32  }
0x4: {  	s9 =	simm.s32 $0x400;
	s10 =	simm.s32 $0x1;
	s11 =	simm.s32 $0x8000  }
0x5: {  	s12 =	simm.s32 $0x8080;
	s13 =	simm.s32 $0x9080;
	s14 =	simm.s32 $0x0  }
0x6: {  	[smem:$0x7FF] =	sst s2;
	s5 =	sand.u32 $0x1, s3;
	s29 =	sshll.u32 s1, $0x8  }
0x7: {  	s6 =	sshrl.u32 s1, $0x2;
	s7 =	sshll.u32 s5, $0x7;
	s3 =	sand.u32 $0x300, s29  }
0x8: {  	_ =	strace $0x8000004A;
	s8 =	sshll.u32 s6, $0xF;
	s7 =	sor.u32 s7, s3  }
0x9: {  	s6 =	sshll.u32 s6, $0x12;
	s5 =	ssub.s32 $0x2, s5;
	s8 =	sor.u32 s8, s7  }
0xa: {  	s3 =	sadd.s32 $0x20000, s4;
	s6 =	sor.u32 s6, s7;
	s8 =	sshrl.u32 s8, $0x3  }
0xb: {  	s31 =	sshrl.u32 s5, $0x1;
	s6 =	sshrl.u32 s6, $0x3;
	s30 =	sadd.s32 s8, s4  }
0xc: {  	s8 =	ssub.s32 s5, s31;
	s4 =	sadd.s32 s4, s6;
	s5 =	sadd.s32 $0x28000, s30  }
0xd: {  	v0 =	vimm.s32 $0x0;
	v1 =	vimm.f32 $0.0e+00;
	v2 =	vimm.s32 $0x1;
	s6 =	sadd.s32 $0x2C000, s30;
	s7 =	smax.u32 s8, $0x1;
	s8 =	simm.s32 $0x80  }
.LBB2_1:
0xe: {  	[tilespmem:s2], [sflag:$0x1] =	stream.strided.gather [hbm4b:s4+s8], $0x8000, s9, s8, $0x38;
	[tilespmem:$0xA080] =	vst v63  }
0xf: {  	_ =	swait.ge [sflag:s10], $0x8000  }
0x10: {  	[sflag:s10] =	ssyncset.done $0x0  }
0x11: {  	[sflag:s10] =	ssyncadd.s32 $0xFFFF8000  }
0x12: {  	[tilespmem:s11], [sflag:$0x1] =	stream.linear.gather [hbm4b:s3+s2], $0x80, $0x38;
	[tilespmem:$0xA080] =	vst v63  }
0x13: {  	_ =	swait.ge [sflag:s10], $0x80  }
0x14: {  	[sflag:s10] =	ssyncset.done $0x0  }
0x15: {  	[sflag:s10] =	ssyncadd.s32 $0xFFFFFF80  }
0x16: {  	s15 =	simm.s32 $0x0;
	v3 =	vld [tilespmem:$0x8000]  }
.LBB2_2:
0x17: {  	p0 =	sne.s32 s15, $0x3FC0  }
.Ltmp0:
0x18: {  	_ = 	snop;
	(pc) =	sbr.rel @p0 .LBB2_2-.Ltmp0, $4  }
0x19: {  	_ = 	snop  }
0x1a: {  	s16 =	sshra.s32 s15, $0x2  }
0x1b: {  	[tilespmem:s16+$0x8080] =	vst v0  }
0x1c: {  	s15 =	sadd.s32 $0x40, s15;
	[tilespmem:s16+$0x9080] =	vst v1  }
0x1d: {  	s15 =	simm.s32 $0x0  }
0x1e: {  	v5 =	vld [tilespmem:s15+$0x0];
	_ =	sdelay $0x4  }
0x1f: {  	v4 =	vshra.s32 v5, $0x14  }
0x20: {  	v6 =	vshrl.u32 v5, $0x8;
	vm0 =	veq.s32 v4, v3  }
0x21: {  	v4 =	vand.u32 $0xFFF, v6;
	_ =	sdelay $0x2  }
0x22: {  	v6 =	vshra.s32 v5, $0x1F  }
0x23: {  	v6 =	vand.u32 $0x7FFFFFFF, v6  }
0x24: {  	s16 =	simm.s32 $0x80;
	s15 =	simm.s32 $0x40;
	v5 =	vxor.u32 v5, v6;
	[tilespmem:v4+s12+$0x0] =	vst.idx.add.s32.msk vm0, v2  }
.LBB2_4:
0x25: {  	p0 =	sne.s32 s16, $0x1FFC0  }
0x26: {  	s17 =	sshra.s32 s15, $0x2;
	[tilespmem:v4+s13+$0x0] =	vst.idx.add.f32.msk vm0, v5;
	s15 =	smov.u32 s16;
	s16 =	sadd.s32 $0x40, s16  }
0x27: {  	v4 =	vld [tilespmem:s17+$0x0];
	_ =	sdelay $0x4  }
0x28: {  	v5 =	vshra.s32 v4, $0x1F;
	v6 =	vshrl.u32 v4, $0x8;
	v7 =	vshra.s32 v4, $0x14  }
0x29: {  	v5 =	vand.u32 $0x7FFFFFFF, v5;
	vm0 =	veq.s32 v7, v3  }
0x2a: {  	v5 =	vxor.u32 v4, v5;
	v4 =	vand.u32 $0xFFF, v6  }
.Ltmp1:
0x2b: {  	(pc) =	sbr.rel @p0 .LBB2_4-.Ltmp1, $2  }
0x2c: {  	_ =	sdelay $0x2  }
0x2d: {  	[tilespmem:v4+s12+$0x0] =	vst.idx.add.s32.msk vm0, v2  }
0x2e: {  	_ =	sdelay $0x4  }
0x2f: {  	s15 =	sshra.s32 s15, $0x2;
	[tilespmem:v4+s13+$0x0] =	vst.idx.add.f32.msk vm0, v5  }
0x30: {  	v4 =	vld [tilespmem:s15+$0x0];
	_ =	sdelay $0x4  }
0x31: {  	v62 =	vshra.s32 v4, $0x14  }
0x32: {  	v6 =	vshrl.u32 v4, $0x8;
	vm15 =	veq.s32 v62, v3  }
0x33: {  	v3 =	vand.u32 $0xFFF, v6;
	_ =	sdelay $0x2  }
0x34: {  	v63 =	vshra.s32 v4, $0x1F  }
0x35: {  	v5 =	vand.u32 $0x7FFFFFFF, v63  }
0x36: {  	v4 =	vxor.u32 v4, v5;
	[tilespmem:v3+s12+$0x0] =	vst.idx.add.s32.msk vm15, v2  }
0x37: {  	[tilespmem:v3+s13+$0x0] =	vst.idx.add.f32.msk vm15, v4  }
0x38: {  	[hbm4b:s5+s8] =	stream.strided.scatter [tilespmem:s12], [sflag:$0x1], $0x1000, s9, s8, $0x38;
	[tilespmem:$0xA080] =	vst v63  }
0x39: {  	s14 =	sadd.s32 $0x1, s14;
	_ =	swait.ge [sflag:s10], $0x1000  }
0x3a: {  	p0 =	sne.s32 s14, s7;
	[sflag:s10] =	ssyncset.done $0x0  }
.Ltmp2:
0x3b: {  	[sflag:s10] =	ssyncadd.s32 $0xFFFFF000;
	(pc) =	sbr.rel @p0 .LBB2_1-.Ltmp2, $4  }
0x3c: {  	[hbm4b:s6+s8] =	stream.strided.scatter [tilespmem:s13], [sflag:$0x1], $0x1000, s9, s8, $0x38;
	[tilespmem:$0xA080] =	vst v63  }
0x3d: {  	_ =	swait.ge [sflag:s10], $0x1000  }
0x3e: {  	[sflag:s10] =	ssyncset.done $0x0  }
0x3f: {  	[sflag:s10] =	ssyncadd.s32 $0xFFFFF000  }
0x40: {  	_ =	sfence.sel $0x180000  }
0x41: {  	[bflag:$0x0] =	sbarrier.arrive $0xFFFF  }
0x42: {  	p0 =	sne.s32 s1, $0x0;
	_ =	strace $0x9000004A  }
0x43: {  	s0 =	sadd.s32 @!p0 $0x100000, s0;
	[bflag:$0x2] =	sbarrier.arrive $0xFFFF  }
0x44: {  	[sflag:s0] =	ssyncadd.tile.s32 @!p0 $0x1;
	_ =	shalt  }
.Lfunc_end2:
_tile_overlayer_lowered:
.L_overlay_start_2:
0x45: {  	(tag) =	ssettag $0x2  }
0x46: {  	s0 =	rddreg [dreg:$0x0];
	s2 =	stileid.u32  }
0x47: {  	s1 =	rddreg [dreg:$0x1];
	p0 =	sne.s32 s2, $0x0  }
0x48: {  	s3 =	rddreg [dreg:$0x2];
	[bflag:$0x3] =	sbarrier.arrive $0xFFFF;
	s2 =	simm.s32 @!p0 $0x1C01  }
0x49: {  	[timem:s3], [sflag:s2] =	dma.local @!p0 [hbm:s0], s1  }
0x4a: {  	s0 =	simm.s32 @!p0 $0x1  }
0x4b: {  	_ =	swait.ge @!p0 [sflag:s0], s1  }
0x4c: {  	s1 =	ssub.s32 @!p0 $0x0, s1;
	[sflag:s0] =	ssyncset.done @!p0 $0x0  }
0x4d: {  	[sflag:s0] =	ssyncadd.s32 @!p0 s1  }
0x4e: {  	[bflag:$0x3] =	sbarrier.arrive $0xFFFF  }
0x4f: {  	_ =	shalt  }

</sc_bundles>
